<compile_context>
chip_gen: v7x
topology: tpu7x:2x2x1
jax: 0.10.2.dev20260603
libtpu: 0.0.44.dev20260713+nightly
codegen_flags: <defaults>
</compile_context>

<pallas_src>
import functools

import jax
import jax.numpy as jnp
from jax import lax
from jax.experimental import pallas as pl
from jax.experimental.pallas import tpu as pltpu
from jax.experimental.pallas import tpu_sc as plsc

_C0 = 0.28209479177387814
_VOXEL = 64
_FAR = 100.0

_NS = 16
_NC = 2
_NW = _NC * _NS


def _sc_mask_kernel(n_pts, n_pcd):
    table_n = _VOXEL * _VOXEL * _VOXEL
    ppt = n_pts // _NW
    ppc = n_pcd // _NS
    assert ppt == ppc, "phases share index/key buffer shapes"
    rows = ppt // 16
    zslab = table_n // _NS

    mesh = plsc.VectorSubcoreMesh(core_axis_name="core", subcore_axis_name="subcore")

    @functools.partial(
        pl.kernel,
        mesh=mesh,
        out_type=jax.ShapeDtypeStruct((_NW, ppt), jnp.float32),
        scratch_types=[
            pltpu.VMEM_SHARED((table_n,), jnp.float32),
            pltpu.VMEM((ppt,), jnp.int32),
            pltpu.VMEM((ppt,), jnp.int32),
            pltpu.VMEM((ppt,), jnp.int32),
            pltpu.VMEM((ppt,), jnp.int32),
            pltpu.VMEM((ppt,), jnp.float32),
            pltpu.SemaphoreType.DMA,
            pltpu.SemaphoreType.DMA,
        ],
    )
    def mask_kernel(cx, cy, cz, px, py, pz, zeros_hbm, mask_out,
                    table, xb, yb, zb, keybuf, valbuf, sem0, sem1):
        i32 = jnp.int32
        sid = lax.axis_index("subcore").astype(i32)
        wid = lax.axis_index("core").astype(i32) * i32(_NS) + sid
        ones16 = jnp.full((16,), 1.0, jnp.float32)

        def stage(sx, sy, sz, base, count, sem):
            c0 = pltpu.async_copy(sx.at[pl.ds(base, count)], xb, sem)
            c1 = pltpu.async_copy(sy.at[pl.ds(base, count)], yb, sem)
            c2 = pltpu.async_copy(sz.at[pl.ds(base, count)], zb, sem)
            return c0, c1, c2

        def compute_keys():
            @pl.loop(0, rows)
            def _r(r):
                s = pl.ds(16 * r, 16)
                keybuf[s] = (xb[s]
                             + yb[s] * i32(_VOXEL)
                             + zb[s] * i32(_VOXEL * _VOXEL))

        cps = stage(px, py, pz, sid * i32(ppc), ppc, sem1)
        z0 = pltpu.async_copy(zeros_hbm, table.at[pl.ds(sid * i32(zslab), zslab)],
                              sem0)

        @pl.loop(0, rows)
        def _ones(r):
            valbuf[pl.ds(16 * r, 16)] = ones16

        for c in cps:
            c.wait()
        compute_keys()
        z0.wait()
        plsc.subcore_barrier()
        pltpu.sync_copy(valbuf, table.at[keybuf])
        plsc.subcore_barrier()

        cps = stage(cx, cy, cz, wid * i32(ppt), ppt, sem1)
        for c in cps:
            c.wait()
        compute_keys()
        pltpu.sync_copy(table.at[keybuf], valbuf)
        pltpu.sync_copy(valbuf, mask_out.at[wid])

    return mask_kernel


def _stats_body(g_ref, mean_ref, scale_ref):
    x = g_ref[...]
    cnt = x.size
    s = jnp.sum(x)
    ss = jnp.sum(x * x)
    mean = s / cnt
    var = (ss - cnt * mean * mean) / (cnt - 1)
    mean_ref[0, 0] = mean
    scale_ref[0, 0] = (2.0 * _FAR / _VOXEL / 6.0) / jnp.sqrt(var)


def _map_body(mean_ref, scale_ref, g_ref, m_ref, o_ref):
    g = g_ref[...]
    mean = mean_ref[0, 0]
    dmscale = scale_ref[0, 0]

    dm = (g[0:3] - mean) * dmscale
    quat = g[3:7]
    sg = jax.nn.sigmoid(g[7:10])
    scale = sg * 2.0 * _FAR / _VOXEL
    opa = jax.nn.sigmoid(g[10:11] - 4.0)
    d1 = (jax.nn.sigmoid(g[11:14]) - 0.5) / _C0
    d2 = g[14:23] / 20.0
    d3 = g[23:38] / 40.0
    d4 = g[38:59] / 80.0

    qn = quat / jnp.sqrt(jnp.sum(quat * quat, axis=0, keepdims=True))
    r_, x_, y_, z_ = qn[0:1], qn[1:2], qn[2:3], qn[3:4]
    r00 = 1.0 - 2.0 * (y_ * y_ + z_ * z_)
    r01 = 2.0 * (x_ * y_ - r_ * z_)
    r02 = 2.0 * (x_ * z_ + r_ * y_)
    r10 = 2.0 * (x_ * y_ + r_ * z_)
    r11 = 1.0 - 2.0 * (x_ * x_ + z_ * z_)
    r12 = 2.0 * (y_ * z_ - r_ * x_)
    r20 = 2.0 * (x_ * z_ - r_ * y_)
    r21 = 2.0 * (y_ * z_ + r_ * x_)
    r22 = 1.0 - 2.0 * (x_ * x_ + y_ * y_)
    s0, s1, s2 = scale[0:1], scale[1:2], scale[2:3]
    l00, l01, l02 = r00 * s0, r01 * s1, r02 * s2
    l10, l11, l12 = r10 * s0, r11 * s1, r12 * s2
    l20, l21, l22 = r20 * s0, r21 * s1, r22 * s2
    c00 = l00 * l00 + l01 * l01 + l02 * l02
    c01 = l00 * l10 + l01 * l11 + l02 * l12
    c02 = l00 * l20 + l01 * l21 + l02 * l22
    c11 = l10 * l10 + l11 * l11 + l12 * l12
    c12 = l10 * l20 + l11 * l21 + l12 * l22
    c22 = l20 * l20 + l21 * l21 + l22 * l22

    maskrow = (m_ref[...] > 0.0).astype(jnp.float32)

    o_ref[...] = jnp.concatenate(
        [dm, quat, scale, opa, d1, d2, d3, d4,
         c00, c01, c02, c01, c11, c12, c02, c12, c22, maskrow], axis=0)


_MAP_CH = 32


def kernel(gaussian_features, coordinates, pcd_coords):
    with jax.enable_x64(False):
        c32 = coordinates.astype(jnp.int32)
        p32 = pcd_coords.astype(jnp.int32)
        return _kernel_x32(gaussian_features, c32, p32)


def _kernel_x32(gf, c32, p32):
    n = c32.shape[0]
    m = p32.shape[0]
    nb = n // 128

    table_n = _VOXEL * _VOXEL * _VOXEL
    zeros_slab = jnp.zeros((table_n // _NS,), jnp.float32)

    cx, cy, cz = (c32[:, 0], c32[:, 1], c32[:, 2])
    px, py, pz = (p32[:, 0], p32[:, 1], p32[:, 2])
    mask3d = _sc_mask_kernel(n, m)(cx, cy, cz, px, py, pz, zeros_slab)
    mask = mask3d.reshape(1, nb, 128)

    gf3d = gf.reshape(59, nb, 128)
    mean, dmscale = pl.pallas_call(
        _stats_body,
        grid=(1,),
        out_shape=[jax.ShapeDtypeStruct((1, 1), jnp.float32)] * 2,
        in_specs=[pl.BlockSpec((3, nb, 128), lambda i: (0, 0, 0))],
        out_specs=[pl.BlockSpec((1, 1), lambda i: (0, 0),
                                memory_space=pltpu.SMEM)] * 2,
    )(gf3d)

    out3 = pl.pallas_call(
        _map_body,
        grid=(nb // _MAP_CH,),
        in_specs=[
            pl.BlockSpec((1, 1), lambda i: (0, 0), memory_space=pltpu.SMEM),
            pl.BlockSpec((1, 1), lambda i: (0, 0), memory_space=pltpu.SMEM),
            pl.BlockSpec((59, _MAP_CH, 128), lambda i: (0, i, 0)),
            pl.BlockSpec((1, _MAP_CH, 128), lambda i: (0, i, 0)),
        ],
        out_specs=pl.BlockSpec((69, _MAP_CH, 128), lambda i: (0, i, 0)),
        out_shape=jax.ShapeDtypeStruct((69, nb, 128), jnp.float32),
    )(mean, dmscale, gf3d, mask)
    return out3.reshape(69, n)

# --- scband reference (transcript-rebuilt; emitter-appended) ---
"""Pipeline reference for scband-voxelized-gaussian-adapter-module-87746181857424 (READ-ONLY COPY).

The authoritative reference and input builder live on the scoring server;
editing this copy changes nothing except your own understanding.
"""

import jax, jax.numpy as jnp
import numpy as np
jax.config.update("jax_enable_x64", True)

SH_DEGREE = 4
C0 = 0.28209479177387814
VOXEL_SIZE = 64
FAR = 100.0
N_PTS = 262144
N_PCD = 131072


def _activate(gf, far, voxel_size):
    # faithful port of activate_gaussians (the overwriting of SLICE_SHS by D1..D4
    # means the final SH rows are exactly the D1..D4 activations)
    dm = gf[0:3]
    dm = (dm - jnp.mean(dm)) / jnp.std(dm, ddof=1) * 2.0 * far / voxel_size / 6.0
    quat = gf[3:7]
    scale = jax.nn.sigmoid(gf[7:10]) * 2.0 * far / voxel_size
    opa = jax.nn.sigmoid(gf[10:11] - 4.0)
    d1 = (jax.nn.sigmoid(gf[11:14]) - 0.5) / C0
    d2 = gf[14:23] / 20.0
    d3 = gf[23:38] / 40.0
    d4 = gf[38:59] / 80.0
    return jnp.concatenate([dm, quat, scale, opa, d1, d2, d3, d4], axis=0)


def _build_rotation(q):
    # q: [N, 4] (r, x, y, z), normalized as in 3DGS build_rotation
    norm = jnp.sqrt(jnp.sum(q * q, axis=1, keepdims=True))
    q = q / norm
    r, x, y, z = q[:, 0], q[:, 1], q[:, 2], q[:, 3]
    R = jnp.stack([
        1 - 2 * (y * y + z * z), 2 * (x * y - r * z), 2 * (x * z + r * y),
        2 * (x * y + r * z), 1 - 2 * (x * x + z * z), 2 * (y * z - r * x),
        2 * (x * z - r * y), 2 * (y * z + r * x), 1 - 2 * (x * x + y * y)
    ], axis=1).reshape(-1, 3, 3)
    return R


def _build_covariance(scale_t, scaling_modifier, quat_t):
    # scale_t: [3, N], quat_t: [4, N] -> cov [N, 3, 3]
    s = scale_t.T * scaling_modifier
    R = _build_rotation(quat_t.T)
    L = R * s[:, None, :]
    cov = jnp.einsum('nij,nkj->nik', L, L)
    return cov


def _isin_3d(c1, c2):
    f1 = c1[:, 0] + c1[:, 1] * 10000 + c1[:, 2] * 100000000
    f2 = c2[:, 0] + c2[:, 1] * 10000 + c2[:, 2] * 100000000
    return jnp.isin(f1, f2), jnp.isin(f2, f1)


def setup_inputs(seed: int = 0) -> dict:
    key = jax.random.key(seed)
    k1, k2, k3 = jax.random.split(key, 3)
    gf = jax.random.normal(k1, (59, N_PTS), dtype=jnp.float32)
    coords = jax.random.randint(k2, (N_PTS, 3), 0, VOXEL_SIZE).astype(jnp.int64)
    pcd = jax.random.randint(k3, (N_PCD, 3), 0, VOXEL_SIZE).astype(jnp.int64)
    return {"gaussian_features": gf, "coordinates": coords, "pcd_coords": pcd}


def reference(gaussian_features, coordinates, pcd_coords):
    act = _activate(gaussian_features, FAR, VOXEL_SIZE)
    cov = _build_covariance(act[7:10], 1.0, act[3:7])
    n = gaussian_features.shape[1]
    is_mapped_gaussians, _is_mapped_points = _isin_3d(coordinates, pcd_coords)
    mask_row = is_mapped_gaussians.astype(jnp.float32)[None, :]
    out = jnp.concatenate([act, cov.reshape(n, 9).T, mask_row], axis=0)
    return out

if __name__ == "__main__":
    import jax
    _d = setup_inputs()
    print(jax.jit(kernel)(*tuple(_d.values())))

</pallas_src>

<mosaic_0001>
#map = affine_map<(d0, d1) -> (0)>
#map1 = affine_map<(d0, d1) -> (0, 0)>
module attributes {stable_mosaic.version = 14 : i64} {
  func.func @mask_kernel(%arg0: i32, %arg1: i32, %arg2: memref<262144xi32, #tpu.memory_space<hbm>>, %arg3: memref<262144xi32, #tpu.memory_space<hbm>>, %arg4: memref<262144xi32, #tpu.memory_space<hbm>>, %arg5: memref<131072xi32, #tpu.memory_space<hbm>>, %arg6: memref<131072xi32, #tpu.memory_space<hbm>>, %arg7: memref<131072xi32, #tpu.memory_space<hbm>>, %arg8: memref<16384xf32, #tpu.memory_space<hbm>>, %arg9: memref<32x8192xf32, #tpu.memory_space<hbm>>, %arg10: memref<262144xf32, #tpu.memory_space<vmem_shared>>, %arg11: memref<8192xi32, #tpu.memory_space<vmem>>, %arg12: memref<8192xi32, #tpu.memory_space<vmem>>, %arg13: memref<8192xi32, #tpu.memory_space<vmem>>, %arg14: memref<8192xi32, #tpu.memory_space<vmem>>, %arg15: memref<8192xf32, #tpu.memory_space<vmem>>, %arg16: memref<!tpu.dma_semaphore, #tpu.memory_space<semaphore_mem>>, %arg17: memref<!tpu.dma_semaphore, #tpu.memory_space<semaphore_mem>>) attributes {dimension_semantics = [#tpu.dimension_semantics<core_parallel>, #tpu.dimension_semantics<subcore_parallel>], iteration_bounds = array<i64: 2, 16>, scalar_prefetch = 0 : i64, scratch_operands = 8 : i64, tpu.core_type = #tpu.core_type<sc_vector_subcore>, window_params = [{transform_indices = #map}, {transform_indices = #map}, {transform_indices = #map}, {transform_indices = #map}, {transform_indices = #map}, {transform_indices = #map}, {transform_indices = #map}, {transform_indices = #map1}]} {
    %mul3A = arith.constant 16 : i32
    %mul3A_0 = arith.muli %arg0, %mul3A : i32
    %add3A = arith.addi %mul3A_0, %arg1 : i32
    %broadcast_in_dim3A = arith.constant 1.000000e+00 : f32
    %broadcast_in_dim3A_1 = vector.broadcast %broadcast_in_dim3A : f32 to vector<16xf32>
    %mul3A_2 = arith.constant 8192 : i32
    %mul3A_3 = arith.muli %arg1, %mul3A_2 : i32
    %dma_start3A = tpu.memref_slice %arg5[%mul3A_3] : memref<131072xi32, #tpu.memory_space<hbm>> -> memref<8192xi32, #tpu.memory_space<hbm>>
    %dma_start3A_4 = tpu.memref_slice %arg5[%mul3A_3] : memref<131072xi32, #tpu.memory_space<hbm>> -> memref<8192xi32, #tpu.memory_space<hbm>>
    tpu.enqueue_dma source(%dma_start3A_4 : memref<8192xi32, #tpu.memory_space<hbm>>) target(%arg11 : memref<8192xi32, #tpu.memory_space<vmem>>) target_semaphore(%arg17 : memref<!tpu.dma_semaphore, #tpu.memory_space<semaphore_mem>>)
    %dma_start3A_5 = tpu.memref_slice %arg6[%mul3A_3] : memref<131072xi32, #tpu.memory_space<hbm>> -> memref<8192xi32, #tpu.memory_space<hbm>>
    %dma_start3A_6 = tpu.memref_slice %arg6[%mul3A_3] : memref<131072xi32, #tpu.memory_space<hbm>> -> memref<8192xi32, #tpu.memory_space<hbm>>
    tpu.enqueue_dma source(%dma_start3A_6 : memref<8192xi32, #tpu.memory_space<hbm>>) target(%arg12 : memref<8192xi32, #tpu.memory_space<vmem>>) target_semaphore(%arg17 : memref<!tpu.dma_semaphore, #tpu.memory_space<semaphore_mem>>)
    %dma_start3A_7 = tpu.memref_slice %arg7[%mul3A_3] : memref<131072xi32, #tpu.memory_space<hbm>> -> memref<8192xi32, #tpu.memory_space<hbm>>
    %dma_start3A_8 = tpu.memref_slice %arg7[%mul3A_3] : memref<131072xi32, #tpu.memory_space<hbm>> -> memref<8192xi32, #tpu.memory_space<hbm>>
    tpu.enqueue_dma source(%dma_start3A_8 : memref<8192xi32, #tpu.memory_space<hbm>>) target(%arg13 : memref<8192xi32, #tpu.memory_space<vmem>>) target_semaphore(%arg17 : memref<!tpu.dma_semaphore, #tpu.memory_space<semaphore_mem>>)
    %mul3A_9 = arith.constant 16384 : i32
    %mul3A_10 = arith.muli %arg1, %mul3A_9 : i32
    %dma_start3A_11 = tpu.memref_slice %arg10[%mul3A_10] : memref<262144xf32, #tpu.memory_space<vmem_shared>> -> memref<16384xf32, #tpu.memory_space<vmem_shared>>
    tpu.enqueue_dma source(%arg8 : memref<16384xf32, #tpu.memory_space<hbm>>) target(%dma_start3A_11 : memref<16384xf32, #tpu.memory_space<vmem_shared>>) target_semaphore(%arg16 : memref<!tpu.dma_semaphore, #tpu.memory_space<semaphore_mem>>)
    %scan3A = arith.constant 0 : i32
    %scan3A_12 = arith.constant 512 : i32
    %scan3A_13 = arith.addi %scan3A, %scan3A_12 : i32
    %scan3A_14 = arith.constant 1 : i32
    scf.for %scan3A_47 = %scan3A to %scan3A_13 step %scan3A_14  : i32 {
      %mul3A_48 = arith.constant 1 : i32
      %mul3A_49 = arith.muli %scan3A_47, %mul3A_48 : i32
      %add3A_50 = arith.constant 0 : i32
      %add3A_51 = arith.addi %add3A_50, %mul3A_49 : i32
      %mul3A_52 = arith.constant 16 : i32
      %mul3A_53 = arith.muli %mul3A_52, %add3A_51 : i32
      %swap3A = arith.index_cast %mul3A_53 : i32 to index
      %swap3A_54 = tpu.vector_load %arg15[%swap3A] {strides = array<i32>} : memref<8192xf32, #tpu.memory_space<vmem>>, vector<16xf32>,
      %swap3A_55 = vector.shape_cast %swap3A_54 : vector<16xf32> to vector<16xf32>
      %swap3A_56 = vector.shape_cast %broadcast_in_dim3A_1 : vector<16xf32> to vector<16xf32>
      tpu.vector_store %arg15[%swap3A], %swap3A_56 {strides = array<i32>} : memref<8192xf32, #tpu.memory_space<vmem>>, vector<16xf32>,
    }
    %scan3A_15 = arith.constant 512 : i32
    %dma_wait3A = tpu.memref_slice %arg5[%mul3A_3] : memref<131072xi32, #tpu.memory_space<hbm>> -> memref<8192xi32, #tpu.memory_space<hbm>>
    %dma_wait3A_16 = tpu.memref_slice %arg5[%mul3A_3] : memref<131072xi32, #tpu.memory_space<hbm>> -> memref<8192xi32, #tpu.memory_space<hbm>>
    tpu.wait_dma2 semaphore(%arg17 : memref<!tpu.dma_semaphore, #tpu.memory_space<semaphore_mem>>) src(%dma_wait3A_16 : memref<8192xi32, #tpu.memory_space<hbm>>) dst(%arg11 : memref<8192xi32, #tpu.memory_space<vmem>>)
    %dma_wait3A_17 = tpu.memref_slice %arg6[%mul3A_3] : memref<131072xi32, #tpu.memory_space<hbm>> -> memref<8192xi32, #tpu.memory_space<hbm>>
    %dma_wait3A_18 = tpu.memref_slice %arg6[%mul3A_3] : memref<131072xi32, #tpu.memory_space<hbm>> -> memref<8192xi32, #tpu.memory_space<hbm>>
    tpu.wait_dma2 semaphore(%arg17 : memref<!tpu.dma_semaphore, #tpu.memory_space<semaphore_mem>>) src(%dma_wait3A_18 : memref<8192xi32, #tpu.memory_space<hbm>>) dst(%arg12 : memref<8192xi32, #tpu.memory_space<vmem>>)
    %dma_wait3A_19 = tpu.memref_slice %arg7[%mul3A_3] : memref<131072xi32, #tpu.memory_space<hbm>> -> memref<8192xi32, #tpu.memory_space<hbm>>
    %dma_wait3A_20 = tpu.memref_slice %arg7[%mul3A_3] : memref<131072xi32, #tpu.memory_space<hbm>> -> memref<8192xi32, #tpu.memory_space<hbm>>
    tpu.wait_dma2 semaphore(%arg17 : memref<!tpu.dma_semaphore, #tpu.memory_space<semaphore_mem>>) src(%dma_wait3A_20 : memref<8192xi32, #tpu.memory_space<hbm>>) dst(%arg13 : memref<8192xi32, #tpu.memory_space<vmem>>)
    %scan3A_21 = arith.constant 0 : i32
    %scan3A_22 = arith.constant 512 : i32
    %scan3A_23 = arith.addi %scan3A_21, %scan3A_22 : i32
    %scan3A_24 = arith.constant 1 : i32
    scf.for %scan3A_47 = %scan3A_21 to %scan3A_23 step %scan3A_24  : i32 {
      %mul3A_48 = arith.constant 1 : i32
      %mul3A_49 = arith.muli %scan3A_47, %mul3A_48 : i32
      %add3A_50 = arith.constant 0 : i32
      %add3A_51 = arith.addi %add3A_50, %mul3A_49 : i32
      %mul3A_52 = arith.constant 16 : i32
      %mul3A_53 = arith.muli %mul3A_52, %add3A_51 : i32
      %get3A = arith.index_cast %mul3A_53 : i32 to index
      %get3A_54 = tpu.vector_load %arg11[%get3A] {strides = array<i32>} : memref<8192xi32, #tpu.memory_space<vmem>>, vector<16xi32>,
      %get3A_55 = vector.shape_cast %get3A_54 : vector<16xi32> to vector<16xi32>
      %get3A_56 = arith.index_cast %mul3A_53 : i32 to index
      %get3A_57 = tpu.vector_load %arg12[%get3A_56] {strides = array<i32>} : memref<8192xi32, #tpu.memory_space<vmem>>, vector<16xi32>,
      %get3A_58 = vector.shape_cast %get3A_57 : vector<16xi32> to vector<16xi32>
      %mul3A_59 = arith.constant 64 : i32
      %mul3A_60 = vector.broadcast %mul3A_59 : i32 to vector<16xi32>
      %mul3A_61 = arith.muli %get3A_58, %mul3A_60 : vector<16xi32>
      %add3A_62 = arith.addi %get3A_55, %mul3A_61 : vector<16xi32>
      %get3A_63 = arith.index_cast %mul3A_53 : i32 to index
      %get3A_64 = tpu.vector_load %arg13[%get3A_63] {strides = array<i32>} : memref<8192xi32, #tpu.memory_space<vmem>>, vector<16xi32>,
      %get3A_65 = vector.shape_cast %get3A_64 : vector<16xi32> to vector<16xi32>
      %mul3A_66 = arith.constant 4096 : i32
      %mul3A_67 = vector.broadcast %mul3A_66 : i32 to vector<16xi32>
      %mul3A_68 = arith.muli %get3A_65, %mul3A_67 : vector<16xi32>
      %add3A_69 = arith.addi %add3A_62, %mul3A_68 : vector<16xi32>
      %swap3A = arith.index_cast %mul3A_53 : i32 to index
      %swap3A_70 = tpu.vector_load %arg14[%swap3A] {strides = array<i32>} : memref<8192xi32, #tpu.memory_space<vmem>>, vector<16xi32>,
      %swap3A_71 = vector.shape_cast %swap3A_70 : vector<16xi32> to vector<16xi32>
      %swap3A_72 = vector.shape_cast %add3A_69 : vector<16xi32> to vector<16xi32>
      tpu.vector_store %arg14[%swap3A], %swap3A_72 {strides = array<i32>} : memref<8192xi32, #tpu.memory_space<vmem>>, vector<16xi32>,
    }
    %scan3A_25 = arith.constant 512 : i32
    %dma_wait3A_26 = tpu.memref_slice %arg10[%mul3A_10] : memref<262144xf32, #tpu.memory_space<vmem_shared>> -> memref<16384xf32, #tpu.memory_space<vmem_shared>>
    tpu.wait_dma2 semaphore(%arg16 : memref<!tpu.dma_semaphore, #tpu.memory_space<semaphore_mem>>) src(%arg8 : memref<16384xf32, #tpu.memory_space<hbm>>) dst(%dma_wait3A_26 : memref<16384xf32, #tpu.memory_space<vmem_shared>>)
    %barrier3A = arith.constant 0 : index
    tpu.barrier barrier_id(%barrier3A)
    "tpu.region"() ({
      %run_scoped3A = tpu.sem_alloc : memref<!tpu.dma_semaphore, #tpu.memory_space<semaphore_mem>>
      %dma_start3A_47 = arith.constant 0 : i32
      %dma_start3A_48 = tpu.memref_slice %arg10[%dma_start3A_47] : memref<262144xf32, #tpu.memory_space<vmem_shared>> -> memref<262144xf32, #tpu.memory_space<vmem_shared>>
      tpu.enqueue_indirect_dma source(%arg15 : memref<8192xf32, #tpu.memory_space<vmem>>) target(%dma_start3A_48 : memref<262144xf32, #tpu.memory_space<vmem_shared>>) offsets(%arg14 : memref<8192xi32, #tpu.memory_space<vmem>>) semaphore(%run_scoped3A : memref<!tpu.dma_semaphore, #tpu.memory_space<semaphore_mem>>)
      %dma_wait3A_49 = arith.constant 0 : i32
      %dma_wait3A_50 = tpu.memref_slice %arg10[%dma_wait3A_49] : memref<262144xf32, #tpu.memory_space<vmem_shared>> -> memref<262144xf32, #tpu.memory_space<vmem_shared>>
      tpu.wait_indirect_dma semaphore(%run_scoped3A : memref<!tpu.dma_semaphore, #tpu.memory_space<semaphore_mem>>) src(%arg15 : memref<8192xf32, #tpu.memory_space<vmem>>) dst(%dma_wait3A_50 : memref<262144xf32, #tpu.memory_space<vmem_shared>>)
      tpu.yield
    }) : () -> ()
    %barrier3A_27 = arith.constant 0 : index
    tpu.barrier barrier_id(%barrier3A_27)
    %mul3A_28 = arith.constant 8192 : i32
    %mul3A_29 = arith.muli %add3A, %mul3A_28 : i32
    %dma_start3A_30 = tpu.memref_slice %arg2[%mul3A_29] : memref<262144xi32, #tpu.memory_space<hbm>> -> memref<8192xi32, #tpu.memory_space<hbm>>
    %dma_start3A_31 = tpu.memref_slice %arg2[%mul3A_29] : memref<262144xi32, #tpu.memory_space<hbm>> -> memref<8192xi32, #tpu.memory_space<hbm>>
    tpu.enqueue_dma source(%dma_start3A_31 : memref<8192xi32, #tpu.memory_space<hbm>>) target(%arg11 : memref<8192xi32, #tpu.memory_space<vmem>>) target_semaphore(%arg17 : memref<!tpu.dma_semaphore, #tpu.memory_space<semaphore_mem>>)
    %dma_start3A_32 = tpu.memref_slice %arg3[%mul3A_29] : memref<262144xi32, #tpu.memory_space<hbm>> -> memref<8192xi32, #tpu.memory_space<hbm>>
    %dma_start3A_33 = tpu.memref_slice %arg3[%mul3A_29] : memref<262144xi32, #tpu.memory_space<hbm>> -> memref<8192xi32, #tpu.memory_space<hbm>>
    tpu.enqueue_dma source(%dma_start3A_33 : memref<8192xi32, #tpu.memory_space<hbm>>) target(%arg12 : memref<8192xi32, #tpu.memory_space<vmem>>) target_semaphore(%arg17 : memref<!tpu.dma_semaphore, #tpu.memory_space<semaphore_mem>>)
    %dma_start3A_34 = tpu.memref_slice %arg4[%mul3A_29] : memref<262144xi32, #tpu.memory_space<hbm>> -> memref<8192xi32, #tpu.memory_space<hbm>>
    %dma_start3A_35 = tpu.memref_slice %arg4[%mul3A_29] : memref<262144xi32, #tpu.memory_space<hbm>> -> memref<8192xi32, #tpu.memory_space<hbm>>
    tpu.enqueue_dma source(%dma_start3A_35 : memref<8192xi32, #tpu.memory_space<hbm>>) target(%arg13 : memref<8192xi32, #tpu.memory_space<vmem>>) target_semaphore(%arg17 : memref<!tpu.dma_semaphore, #tpu.memory_space<semaphore_mem>>)
    %dma_wait3A_36 = tpu.memref_slice %arg2[%mul3A_29] : memref<262144xi32, #tpu.memory_space<hbm>> -> memref<8192xi32, #tpu.memory_space<hbm>>
    %dma_wait3A_37 = tpu.memref_slice %arg2[%mul3A_29] : memref<262144xi32, #tpu.memory_space<hbm>> -> memref<8192xi32, #tpu.memory_space<hbm>>
    tpu.wait_dma2 semaphore(%arg17 : memref<!tpu.dma_semaphore, #tpu.memory_space<semaphore_mem>>) src(%dma_wait3A_37 : memref<8192xi32, #tpu.memory_space<hbm>>) dst(%arg11 : memref<8192xi32, #tpu.memory_space<vmem>>)
    %dma_wait3A_38 = tpu.memref_slice %arg3[%mul3A_29] : memref<262144xi32, #tpu.memory_space<hbm>> -> memref<8192xi32, #tpu.memory_space<hbm>>
    %dma_wait3A_39 = tpu.memref_slice %arg3[%mul3A_29] : memref<262144xi32, #tpu.memory_space<hbm>> -> memref<8192xi32, #tpu.memory_space<hbm>>
    tpu.wait_dma2 semaphore(%arg17 : memref<!tpu.dma_semaphore, #tpu.memory_space<semaphore_mem>>) src(%dma_wait3A_39 : memref<8192xi32, #tpu.memory_space<hbm>>) dst(%arg12 : memref<8192xi32, #tpu.memory_space<vmem>>)
    %dma_wait3A_40 = tpu.memref_slice %arg4[%mul3A_29] : memref<262144xi32, #tpu.memory_space<hbm>> -> memref<8192xi32, #tpu.memory_space<hbm>>
    %dma_wait3A_41 = tpu.memref_slice %arg4[%mul3A_29] : memref<262144xi32, #tpu.memory_space<hbm>> -> memref<8192xi32, #tpu.memory_space<hbm>>
    tpu.wait_dma2 semaphore(%arg17 : memref<!tpu.dma_semaphore, #tpu.memory_space<semaphore_mem>>) src(%dma_wait3A_41 : memref<8192xi32, #tpu.memory_space<hbm>>) dst(%arg13 : memref<8192xi32, #tpu.memory_space<vmem>>)
    %scan3A_42 = arith.constant 0 : i32
    %scan3A_43 = arith.constant 512 : i32
    %scan3A_44 = arith.addi %scan3A_42, %scan3A_43 : i32
    %scan3A_45 = arith.constant 1 : i32
    scf.for %scan3A_47 = %scan3A_42 to %scan3A_44 step %scan3A_45  : i32 {
      %mul3A_48 = arith.constant 1 : i32
      %mul3A_49 = arith.muli %scan3A_47, %mul3A_48 : i32
      %add3A_50 = arith.constant 0 : i32
      %add3A_51 = arith.addi %add3A_50, %mul3A_49 : i32
      %mul3A_52 = arith.constant 16 : i32
      %mul3A_53 = arith.muli %mul3A_52, %add3A_51 : i32
      %get3A = arith.index_cast %mul3A_53 : i32 to index
      %get3A_54 = tpu.vector_load %arg11[%get3A] {strides = array<i32>} : memref<8192xi32, #tpu.memory_space<vmem>>, vector<16xi32>,
      %get3A_55 = vector.shape_cast %get3A_54 : vector<16xi32> to vector<16xi32>
      %get3A_56 = arith.index_cast %mul3A_53 : i32 to index
      %get3A_57 = tpu.vector_load %arg12[%get3A_56] {strides = array<i32>} : memref<8192xi32, #tpu.memory_space<vmem>>, vector<16xi32>,
      %get3A_58 = vector.shape_cast %get3A_57 : vector<16xi32> to vector<16xi32>
      %mul3A_59 = arith.constant 64 : i32
      %mul3A_60 = vector.broadcast %mul3A_59 : i32 to vector<16xi32>
      %mul3A_61 = arith.muli %get3A_58, %mul3A_60 : vector<16xi32>
      %add3A_62 = arith.addi %get3A_55, %mul3A_61 : vector<16xi32>
      %get3A_63 = arith.index_cast %mul3A_53 : i32 to index
      %get3A_64 = tpu.vector_load %arg13[%get3A_63] {strides = array<i32>} : memref<8192xi32, #tpu.memory_space<vmem>>, vector<16xi32>,
      %get3A_65 = vector.shape_cast %get3A_64 : vector<16xi32> to vector<16xi32>
      %mul3A_66 = arith.constant 4096 : i32
      %mul3A_67 = vector.broadcast %mul3A_66 : i32 to vector<16xi32>
      %mul3A_68 = arith.muli %get3A_65, %mul3A_67 : vector<16xi32>
      %add3A_69 = arith.addi %add3A_62, %mul3A_68 : vector<16xi32>
      %swap3A = arith.index_cast %mul3A_53 : i32 to index
      %swap3A_70 = tpu.vector_load %arg14[%swap3A] {strides = array<i32>} : memref<8192xi32, #tpu.memory_space<vmem>>, vector<16xi32>,
      %swap3A_71 = vector.shape_cast %swap3A_70 : vector<16xi32> to vector<16xi32>
      %swap3A_72 = vector.shape_cast %add3A_69 : vector<16xi32> to vector<16xi32>
      tpu.vector_store %arg14[%swap3A], %swap3A_72 {strides = array<i32>} : memref<8192xi32, #tpu.memory_space<vmem>>, vector<16xi32>,
    }
    %scan3A_46 = arith.constant 512 : i32
    "tpu.region"() ({
      %run_scoped3A = tpu.sem_alloc : memref<!tpu.dma_semaphore, #tpu.memory_space<semaphore_mem>>
      %dma_start3A_47 = arith.constant 0 : i32
      %dma_start3A_48 = tpu.memref_slice %arg10[%dma_start3A_47] : memref<262144xf32, #tpu.memory_space<vmem_shared>> -> memref<262144xf32, #tpu.memory_space<vmem_shared>>
      tpu.enqueue_indirect_dma source(%dma_start3A_48 : memref<262144xf32, #tpu.memory_space<vmem_shared>>) target(%arg15 : memref<8192xf32, #tpu.memory_space<vmem>>) offsets(%arg14 : memref<8192xi32, #tpu.memory_space<vmem>>) semaphore(%run_scoped3A : memref<!tpu.dma_semaphore, #tpu.memory_space<semaphore_mem>>)
      %dma_wait3A_49 = arith.constant 0 : i32
      %dma_wait3A_50 = tpu.memref_slice %arg10[%dma_wait3A_49] : memref<262144xf32, #tpu.memory_space<vmem_shared>> -> memref<262144xf32, #tpu.memory_space<vmem_shared>>
      tpu.wait_indirect_dma semaphore(%run_scoped3A : memref<!tpu.dma_semaphore, #tpu.memory_space<semaphore_mem>>) src(%dma_wait3A_50 : memref<262144xf32, #tpu.memory_space<vmem_shared>>) dst(%arg15 : memref<8192xf32, #tpu.memory_space<vmem>>)
      tpu.yield
    }) : () -> ()
    "tpu.region"() ({
      %run_scoped3A = tpu.sem_alloc : memref<!tpu.dma_semaphore, #tpu.memory_space<semaphore_mem>>
      %dma_start3A_47 = arith.constant 0 : i32
      %dma_start3A_48 = tpu.memref_slice %arg9[%add3A, %dma_start3A_47] : memref<32x8192xf32, #tpu.memory_space<hbm>> -> memref<1x8192xf32, #tpu.memory_space<hbm>>
      %dma_start3A_49 = tpu.memref_squeeze %dma_start3A_48 : memref<1x8192xf32, #tpu.memory_space<hbm>> -> memref<8192xf32, #tpu.memory_space<hbm>>
      %dma_start3A_50 = arith.constant 0 : i32
      %dma_start3A_51 = tpu.memref_slice %arg9[%add3A, %dma_start3A_50] : memref<32x8192xf32, #tpu.memory_space<hbm>> -> memref<1x8192xf32, #tpu.memory_space<hbm>>
      %dma_start3A_52 = tpu.memref_squeeze %dma_start3A_51 : memref<1x8192xf32, #tpu.memory_space<hbm>> -> memref<8192xf32, #tpu.memory_space<hbm>>
      tpu.enqueue_dma source(%arg15 : memref<8192xf32, #tpu.memory_space<vmem>>) target(%dma_start3A_52 : memref<8192xf32, #tpu.memory_space<hbm>>) target_semaphore(%run_scoped3A : memref<!tpu.dma_semaphore, #tpu.memory_space<semaphore_mem>>)
      %dma_wait3A_53 = arith.constant 0 : i32
      %dma_wait3A_54 = tpu.memref_slice %arg9[%add3A, %dma_wait3A_53] : memref<32x8192xf32, #tpu.memory_space<hbm>> -> memref<1x8192xf32, #tpu.memory_space<hbm>>
      %dma_wait3A_55 = tpu.memref_squeeze %dma_wait3A_54 : memref<1x8192xf32, #tpu.memory_space<hbm>> -> memref<8192xf32, #tpu.memory_space<hbm>>
      %dma_wait3A_56 = arith.constant 0 : i32
      %dma_wait3A_57 = tpu.memref_slice %arg9[%add3A, %dma_wait3A_56] : memref<32x8192xf32, #tpu.memory_space<hbm>> -> memref<1x8192xf32, #tpu.memory_space<hbm>>
      %dma_wait3A_58 = tpu.memref_squeeze %dma_wait3A_57 : memref<1x8192xf32, #tpu.memory_space<hbm>> -> memref<8192xf32, #tpu.memory_space<hbm>>
      tpu.wait_dma2 semaphore(%run_scoped3A : memref<!tpu.dma_semaphore, #tpu.memory_space<semaphore_mem>>) src(%arg15 : memref<8192xf32, #tpu.memory_space<vmem>>) dst(%dma_wait3A_58 : memref<8192xf32, #tpu.memory_space<hbm>>)
      tpu.yield
    }) : () -> ()
    return
  }
}

module attributes {stable_mosaic.version = 14 : i64} {
  func.func @_stats_body(%arg0: i32, %arg1: memref<3x2048x128xf32, #tpu.memory_space<vmem>>, %arg2: memref<1x1xf32, #tpu.memory_space<smem>>, %arg3: memref<1x1xf32, #tpu.memory_space<smem>>) attributes {dimension_semantics = [#tpu.dimension_semantics<arbitrary>], iteration_bounds = array<i64: 1>, scalar_prefetch = 0 : i64, scratch_operands = 0 : i64, tpu.core_type = #tpu.core_type<tc>, window_params = [{transform_indices = @transform_0, window_bounds = array<i64: 3, 2048, 128>}, {transform_indices = @transform_1, window_bounds = array<i64: 1, 1>}, {transform_indices = @transform_2, window_bounds = array<i64: 1, 1>}]} {
    %get3A = arith.constant 0 : index
    %get3A_0 = arith.constant 0 : index
    %get3A_1 = arith.constant 0 : index
    %get3A_2 = vector.load %arg1[%get3A, %get3A_0, %get3A_1] : memref<3x2048x128xf32, #tpu.memory_space<vmem>>, vector<3x2048x128xf32>
    %reduce_sum3A = vector.shape_cast %get3A_2 : vector<3x2048x128xf32> to vector<1x3x2048x128xf32>
    %reduce_sum3A_3 = arith.constant dense<0.000000e+00> : vector<1xf32>
    %reduce_sum3A_4 = vector.multi_reduction <add>, %reduce_sum3A, %reduce_sum3A_3 [1, 2, 3] : vector<1x3x2048x128xf32> to vector<1xf32>
    %reduce_sum3A_5 = vector.shape_cast %reduce_sum3A_4 : vector<1xf32> to vector<1x1x1x1xf32>
    %reduce_sum3A_6 = vector.extract %reduce_sum3A_5[0, 0, 0, 0] : f32 from vector<1x1x1x1xf32>
    %mul3A = arith.mulf %get3A_2, %get3A_2 : vector<3x2048x128xf32>
    %reduce_sum3A_7 = vector.shape_cast %mul3A : vector<3x2048x128xf32> to vector<1x3x2048x128xf32>
    %reduce_sum3A_8 = arith.constant dense<0.000000e+00> : vector<1xf32>
    %reduce_sum3A_9 = vector.multi_reduction <add>, %reduce_sum3A_7, %reduce_sum3A_8 [1, 2, 3] : vector<1x3x2048x128xf32> to vector<1xf32>
    %reduce_sum3A_10 = vector.shape_cast %reduce_sum3A_9 : vector<1xf32> to vector<1x1x1x1xf32>
    %reduce_sum3A_11 = vector.extract %reduce_sum3A_10[0, 0, 0, 0] : f32 from vector<1x1x1x1xf32>
    %div3A = arith.constant 7.864320e+05 : f32
    %div3A_12 = arith.divf %reduce_sum3A_6, %div3A : f32
    %mul3A_13 = arith.constant 7.864320e+05 : f32
    %mul3A_14 = arith.mulf %mul3A_13, %div3A_12 : f32
    %mul3A_15 = arith.mulf %mul3A_14, %div3A_12 : f32
    %sub3A = arith.subf %reduce_sum3A_11, %mul3A_15 : f32
    %div3A_16 = arith.constant 7.864310e+05 : f32
    %div3A_17 = arith.divf %sub3A, %div3A_16 : f32
    %swap3A = arith.constant 0 : index
    %swap3A_18 = arith.constant 0 : index
    %swap3A_19 = memref.load %arg2[%swap3A, %swap3A_18] : memref<1x1xf32, #tpu.memory_space<smem>>
    memref.store %div3A_12, %arg2[%swap3A, %swap3A_18] : memref<1x1xf32, #tpu.memory_space<smem>>
    %sqrt3A = math.sqrt %div3A_17 : f32
    %div3A_20 = arith.constant 0.520833313 : f32
    %div3A_21 = arith.divf %div3A_20, %sqrt3A : f32
    %swap3A_22 = arith.constant 0 : index
    %swap3A_23 = arith.constant 0 : index
    %swap3A_24 = memref.load %arg3[%swap3A_22, %swap3A_23] : memref<1x1xf32, #tpu.memory_space<smem>>
    memref.store %div3A_21, %arg3[%swap3A_22, %swap3A_23] : memref<1x1xf32, #tpu.memory_space<smem>>
    return
  }
  func.func @transform_0(%arg0: i32) -> (i32, i32, i32) {
    %c0_i32 = arith.constant 0 : i32
    %c0_i32_0 = arith.constant 0 : i32
    %c0_i32_1 = arith.constant 0 : i32
    %c0_i32_2 = arith.constant 0 : i32
    return %c0_i32, %c0_i32_0, %c0_i32_1 : i32, i32, i32
  }
  func.func @transform_1(%arg0: i32) -> (i32, i32) {
    %c0_i32 = arith.constant 0 : i32
    %c0_i32_0 = arith.constant 0 : i32
    %c0_i32_1 = arith.constant 0 : i32
    return %c0_i32, %c0_i32_0 : i32, i32
  }
  func.func @transform_2(%arg0: i32) -> (i32, i32) {
    %c0_i32 = arith.constant 0 : i32
    %c0_i32_0 = arith.constant 0 : i32
    %c0_i32_1 = arith.constant 0 : i32
    return %c0_i32, %c0_i32_0 : i32, i32
  }
}

module attributes {stable_mosaic.version = 14 : i64} {
  func.func @_map_body(%arg0: i32, %arg1: memref<1x1xf32, #tpu.memory_space<smem>>, %arg2: memref<1x1xf32, #tpu.memory_space<smem>>, %arg3: memref<59x32x128xf32, #tpu.memory_space<vmem>>, %arg4: memref<1x32x128xf32, #tpu.memory_space<vmem>>, %arg5: memref<69x32x128xf32, #tpu.memory_space<vmem>>) attributes {dimension_semantics = [#tpu.dimension_semantics<arbitrary>], iteration_bounds = array<i64: 64>, scalar_prefetch = 0 : i64, scratch_operands = 0 : i64, tpu.core_type = #tpu.core_type<tc>, window_params = [{transform_indices = @transform_0, window_bounds = array<i64: 1, 1>}, {transform_indices = @transform_1, window_bounds = array<i64: 1, 1>}, {transform_indices = @transform_2, window_bounds = array<i64: 59, 32, 128>}, {transform_indices = @transform_3, window_bounds = array<i64: 1, 32, 128>}, {transform_indices = @transform_4, window_bounds = array<i64: 69, 32, 128>}]} {
    %get3A = arith.constant 0 : index
    %get3A_0 = arith.constant 0 : index
    %get3A_1 = arith.constant 0 : index
    %get3A_2 = vector.load %arg3[%get3A, %get3A_0, %get3A_1] : memref<59x32x128xf32, #tpu.memory_space<vmem>>, vector<59x32x128xf32>
    %get3A_3 = arith.constant 0 : index
    %get3A_4 = arith.constant 0 : index
    %get3A_5 = memref.load %arg1[%get3A_3, %get3A_4] : memref<1x1xf32, #tpu.memory_space<smem>>
    %get3A_6 = arith.constant 0 : index
    %get3A_7 = arith.constant 0 : index
    %get3A_8 = memref.load %arg2[%get3A_6, %get3A_7] : memref<1x1xf32, #tpu.memory_space<smem>>
    %slice3A = vector.extract_strided_slice %get3A_2 {offsets = [0, 0, 0], sizes = [3, 32, 128], strides = [1, 1, 1]} : vector<59x32x128xf32> to vector<3x32x128xf32>
    %sub3A = vector.broadcast %get3A_5 : f32 to vector<3x32x128xf32>
    %sub3A_9 = arith.subf %slice3A, %sub3A : vector<3x32x128xf32>
    %mul3A = vector.broadcast %get3A_8 : f32 to vector<3x32x128xf32>
    %mul3A_10 = arith.mulf %sub3A_9, %mul3A : vector<3x32x128xf32>
    %slice3A_11 = vector.extract_strided_slice %get3A_2 {offsets = [3, 0, 0], sizes = [4, 32, 128], strides = [1, 1, 1]} : vector<59x32x128xf32> to vector<4x32x128xf32>
    %slice3A_12 = vector.extract_strided_slice %get3A_2 {offsets = [7, 0, 0], sizes = [3, 32, 128], strides = [1, 1, 1]} : vector<59x32x128xf32> to vector<3x32x128xf32>
    %logistic3A = arith.negf %slice3A_12 : vector<3x32x128xf32>
    %logistic3A_13 = math.exp %logistic3A : vector<3x32x128xf32>
    %logistic3A_14 = arith.constant 1.000000e+00 : f32
    %logistic3A_15 = vector.broadcast %logistic3A_14 : f32 to vector<3x32x128xf32>
    %logistic3A_16 = arith.addf %logistic3A_15, %logistic3A_13 : vector<3x32x128xf32>
    %logistic3A_17 = arith.divf %logistic3A_15, %logistic3A_16 : vector<3x32x128xf32>
    %mul3A_18 = arith.constant 2.000000e+00 : f32
    %mul3A_19 = vector.broadcast %mul3A_18 : f32 to vector<3x32x128xf32>
    %mul3A_20 = arith.mulf %logistic3A_17, %mul3A_19 : vector<3x32x128xf32>
    %mul3A_21 = arith.constant 1.000000e+02 : f32
    %mul3A_22 = vector.broadcast %mul3A_21 : f32 to vector<3x32x128xf32>
    %mul3A_23 = arith.mulf %mul3A_20, %mul3A_22 : vector<3x32x128xf32>
    %div3A = arith.constant 6.400000e+01 : f32
    %div3A_24 = vector.broadcast %div3A : f32 to vector<3x32x128xf32>
    %div3A_25 = arith.divf %mul3A_23, %div3A_24 : vector<3x32x128xf32>
    %slice3A_26 = vector.extract_strided_slice %get3A_2 {offsets = [10, 0, 0], sizes = [1, 32, 128], strides = [1, 1, 1]} : vector<59x32x128xf32> to vector<1x32x128xf32>
    %sub3A_27 = arith.constant 4.000000e+00 : f32
    %sub3A_28 = vector.broadcast %sub3A_27 : f32 to vector<1x32x128xf32>
    %sub3A_29 = arith.subf %slice3A_26, %sub3A_28 : vector<1x32x128xf32>
    %logistic3A_30 = arith.negf %sub3A_29 : vector<1x32x128xf32>
    %logistic3A_31 = math.exp %logistic3A_30 : vector<1x32x128xf32>
    %logistic3A_32 = arith.constant 1.000000e+00 : f32
    %logistic3A_33 = vector.broadcast %logistic3A_32 : f32 to vector<1x32x128xf32>
    %logistic3A_34 = arith.addf %logistic3A_33, %logistic3A_31 : vector<1x32x128xf32>
    %logistic3A_35 = arith.divf %logistic3A_33, %logistic3A_34 : vector<1x32x128xf32>
    %slice3A_36 = vector.extract_strided_slice %get3A_2 {offsets = [11, 0, 0], sizes = [3, 32, 128], strides = [1, 1, 1]} : vector<59x32x128xf32> to vector<3x32x128xf32>
    %logistic3A_37 = arith.negf %slice3A_36 : vector<3x32x128xf32>
    %logistic3A_38 = math.exp %logistic3A_37 : vector<3x32x128xf32>
    %logistic3A_39 = arith.constant 1.000000e+00 : f32
    %logistic3A_40 = vector.broadcast %logistic3A_39 : f32 to vector<3x32x128xf32>
    %logistic3A_41 = arith.addf %logistic3A_40, %logistic3A_38 : vector<3x32x128xf32>
    %logistic3A_42 = arith.divf %logistic3A_40, %logistic3A_41 : vector<3x32x128xf32>
    %sub3A_43 = arith.constant 5.000000e-01 : f32
    %sub3A_44 = vector.broadcast %sub3A_43 : f32 to vector<3x32x128xf32>
    %sub3A_45 = arith.subf %logistic3A_42, %sub3A_44 : vector<3x32x128xf32>
    %div3A_46 = arith.constant 0.282094806 : f32
    %div3A_47 = vector.broadcast %div3A_46 : f32 to vector<3x32x128xf32>
    %div3A_48 = arith.divf %sub3A_45, %div3A_47 : vector<3x32x128xf32>
    %slice3A_49 = vector.extract_strided_slice %get3A_2 {offsets = [14, 0, 0], sizes = [9, 32, 128], strides = [1, 1, 1]} : vector<59x32x128xf32> to vector<9x32x128xf32>
    %div3A_50 = arith.constant 2.000000e+01 : f32
    %div3A_51 = vector.broadcast %div3A_50 : f32 to vector<9x32x128xf32>
    %div3A_52 = arith.divf %slice3A_49, %div3A_51 : vector<9x32x128xf32>
    %slice3A_53 = vector.extract_strided_slice %get3A_2 {offsets = [23, 0, 0], sizes = [15, 32, 128], strides = [1, 1, 1]} : vector<59x32x128xf32> to vector<15x32x128xf32>
    %div3A_54 = arith.constant 4.000000e+01 : f32
    %div3A_55 = vector.broadcast %div3A_54 : f32 to vector<15x32x128xf32>
    %div3A_56 = arith.divf %slice3A_53, %div3A_55 : vector<15x32x128xf32>
    %slice3A_57 = vector.extract_strided_slice %get3A_2 {offsets = [38, 0, 0], sizes = [21, 32, 128], strides = [1, 1, 1]} : vector<59x32x128xf32> to vector<21x32x128xf32>
    %div3A_58 = arith.constant 8.000000e+01 : f32
    %div3A_59 = vector.broadcast %div3A_58 : f32 to vector<21x32x128xf32>
    %div3A_60 = arith.divf %slice3A_57, %div3A_59 : vector<21x32x128xf32>
    %mul3A_61 = arith.mulf %slice3A_11, %slice3A_11 : vector<4x32x128xf32>
    %reduce_sum3A = arith.constant dense<0.000000e+00> : vector<32x128xf32>
    %reduce_sum3A_62 = vector.multi_reduction <add>, %mul3A_61, %reduce_sum3A [0] : vector<4x32x128xf32> to vector<32x128xf32>
    %broadcast_in_dim3A = vector.shape_cast %reduce_sum3A_62 : vector<32x128xf32> to vector<1x32x128xf32>
    %sqrt3A = math.sqrt %broadcast_in_dim3A : vector<1x32x128xf32>
    %div3A_63 = vector.broadcast %sqrt3A : vector<1x32x128xf32> to vector<4x32x128xf32>
    %div3A_64 = arith.divf %slice3A_11, %div3A_63 : vector<4x32x128xf32>
    %slice3A_65 = vector.extract_strided_slice %div3A_64 {offsets = [0, 0, 0], sizes = [1, 32, 128], strides = [1, 1, 1]} : vector<4x32x128xf32> to vector<1x32x128xf32>
    %slice3A_66 = vector.extract_strided_slice %div3A_64 {offsets = [1, 0, 0], sizes = [1, 32, 128], strides = [1, 1, 1]} : vector<4x32x128xf32> to vector<1x32x128xf32>
    %slice3A_67 = vector.extract_strided_slice %div3A_64 {offsets = [2, 0, 0], sizes = [1, 32, 128], strides = [1, 1, 1]} : vector<4x32x128xf32> to vector<1x32x128xf32>
    %slice3A_68 = vector.extract_strided_slice %div3A_64 {offsets = [3, 0, 0], sizes = [1, 32, 128], strides = [1, 1, 1]} : vector<4x32x128xf32> to vector<1x32x128xf32>
    %mul3A_69 = arith.mulf %slice3A_67, %slice3A_67 : vector<1x32x128xf32>
    %mul3A_70 = arith.mulf %slice3A_68, %slice3A_68 : vector<1x32x128xf32>
    %add3A = arith.addf %mul3A_69, %mul3A_70 : vector<1x32x128xf32>
    %mul3A_71 = arith.constant 2.000000e+00 : f32
    %mul3A_72 = vector.broadcast %mul3A_71 : f32 to vector<1x32x128xf32>
    %mul3A_73 = arith.mulf %mul3A_72, %add3A : vector<1x32x128xf32>
    %sub3A_74 = arith.constant 1.000000e+00 : f32
    %sub3A_75 = vector.broadcast %sub3A_74 : f32 to vector<1x32x128xf32>
    %sub3A_76 = arith.subf %sub3A_75, %mul3A_73 : vector<1x32x128xf32>
    %mul3A_77 = arith.mulf %slice3A_66, %slice3A_67 : vector<1x32x128xf32>
    %mul3A_78 = arith.mulf %slice3A_65, %slice3A_68 : vector<1x32x128xf32>
    %sub3A_79 = arith.subf %mul3A_77, %mul3A_78 : vector<1x32x128xf32>
    %mul3A_80 = arith.constant 2.000000e+00 : f32
    %mul3A_81 = vector.broadcast %mul3A_80 : f32 to vector<1x32x128xf32>
    %mul3A_82 = arith.mulf %mul3A_81, %sub3A_79 : vector<1x32x128xf32>
    %mul3A_83 = arith.mulf %slice3A_66, %slice3A_68 : vector<1x32x128xf32>
    %mul3A_84 = arith.mulf %slice3A_65, %slice3A_67 : vector<1x32x128xf32>
    %add3A_85 = arith.addf %mul3A_83, %mul3A_84 : vector<1x32x128xf32>
    %mul3A_86 = arith.constant 2.000000e+00 : f32
    %mul3A_87 = vector.broadcast %mul3A_86 : f32 to vector<1x32x128xf32>
    %mul3A_88 = arith.mulf %mul3A_87, %add3A_85 : vector<1x32x128xf32>
    %mul3A_89 = arith.mulf %slice3A_66, %slice3A_67 : vector<1x32x128xf32>
    %mul3A_90 = arith.mulf %slice3A_65, %slice3A_68 : vector<1x32x128xf32>
    %add3A_91 = arith.addf %mul3A_89, %mul3A_90 : vector<1x32x128xf32>
    %mul3A_92 = arith.constant 2.000000e+00 : f32
    %mul3A_93 = vector.broadcast %mul3A_92 : f32 to vector<1x32x128xf32>
    %mul3A_94 = arith.mulf %mul3A_93, %add3A_91 : vector<1x32x128xf32>
    %mul3A_95 = arith.mulf %slice3A_66, %slice3A_66 : vector<1x32x128xf32>
    %mul3A_96 = arith.mulf %slice3A_68, %slice3A_68 : vector<1x32x128xf32>
    %add3A_97 = arith.addf %mul3A_95, %mul3A_96 : vector<1x32x128xf32>
    %mul3A_98 = arith.constant 2.000000e+00 : f32
    %mul3A_99 = vector.broadcast %mul3A_98 : f32 to vector<1x32x128xf32>
    %mul3A_100 = arith.mulf %mul3A_99, %add3A_97 : vector<1x32x128xf32>
    %sub3A_101 = arith.constant 1.000000e+00 : f32
    %sub3A_102 = vector.broadcast %sub3A_101 : f32 to vector<1x32x128xf32>
    %sub3A_103 = arith.subf %sub3A_102, %mul3A_100 : vector<1x32x128xf32>
    %mul3A_104 = arith.mulf %slice3A_67, %slice3A_68 : vector<1x32x128xf32>
    %mul3A_105 = arith.mulf %slice3A_65, %slice3A_66 : vector<1x32x128xf32>
    %sub3A_106 = arith.subf %mul3A_104, %mul3A_105 : vector<1x32x128xf32>
    %mul3A_107 = arith.constant 2.000000e+00 : f32
    %mul3A_108 = vector.broadcast %mul3A_107 : f32 to vector<1x32x128xf32>
    %mul3A_109 = arith.mulf %mul3A_108, %sub3A_106 : vector<1x32x128xf32>
    %mul3A_110 = arith.mulf %slice3A_66, %slice3A_68 : vector<1x32x128xf32>
    %mul3A_111 = arith.mulf %slice3A_65, %slice3A_67 : vector<1x32x128xf32>
    %sub3A_112 = arith.subf %mul3A_110, %mul3A_111 : vector<1x32x128xf32>
    %mul3A_113 = arith.constant 2.000000e+00 : f32
    %mul3A_114 = vector.broadcast %mul3A_113 : f32 to vector<1x32x128xf32>
    %mul3A_115 = arith.mulf %mul3A_114, %sub3A_112 : vector<1x32x128xf32>
    %mul3A_116 = arith.mulf %slice3A_67, %slice3A_68 : vector<1x32x128xf32>
    %mul3A_117 = arith.mulf %slice3A_65, %slice3A_66 : vector<1x32x128xf32>
    %add3A_118 = arith.addf %mul3A_116, %mul3A_117 : vector<1x32x128xf32>
    %mul3A_119 = arith.constant 2.000000e+00 : f32
    %mul3A_120 = vector.broadcast %mul3A_119 : f32 to vector<1x32x128xf32>
    %mul3A_121 = arith.mulf %mul3A_120, %add3A_118 : vector<1x32x128xf32>
    %mul3A_122 = arith.mulf %slice3A_66, %slice3A_66 : vector<1x32x128xf32>
    %mul3A_123 = arith.mulf %slice3A_67, %slice3A_67 : vector<1x32x128xf32>
    %add3A_124 = arith.addf %mul3A_122, %mul3A_123 : vector<1x32x128xf32>
    %mul3A_125 = arith.constant 2.000000e+00 : f32
    %mul3A_126 = vector.broadcast %mul3A_125 : f32 to vector<1x32x128xf32>
    %mul3A_127 = arith.mulf %mul3A_126, %add3A_124 : vector<1x32x128xf32>
    %sub3A_128 = arith.constant 1.000000e+00 : f32
    %sub3A_129 = vector.broadcast %sub3A_128 : f32 to vector<1x32x128xf32>
    %sub3A_130 = arith.subf %sub3A_129, %mul3A_127 : vector<1x32x128xf32>
    %slice3A_131 = vector.extract_strided_slice %div3A_25 {offsets = [0, 0, 0], sizes = [1, 32, 128], strides = [1, 1, 1]} : vector<3x32x128xf32> to vector<1x32x128xf32>
    %slice3A_132 = vector.extract_strided_slice %div3A_25 {offsets = [1, 0, 0], sizes = [1, 32, 128], strides = [1, 1, 1]} : vector<3x32x128xf32> to vector<1x32x128xf32>
    %slice3A_133 = vector.extract_strided_slice %div3A_25 {offsets = [2, 0, 0], sizes = [1, 32, 128], strides = [1, 1, 1]} : vector<3x32x128xf32> to vector<1x32x128xf32>
    %mul3A_134 = arith.mulf %sub3A_76, %slice3A_131 : vector<1x32x128xf32>
    %mul3A_135 = arith.mulf %mul3A_82, %slice3A_132 : vector<1x32x128xf32>
    %mul3A_136 = arith.mulf %mul3A_88, %slice3A_133 : vector<1x32x128xf32>
    %mul3A_137 = arith.mulf %mul3A_94, %slice3A_131 : vector<1x32x128xf32>
    %mul3A_138 = arith.mulf %sub3A_103, %slice3A_132 : vector<1x32x128xf32>
    %mul3A_139 = arith.mulf %mul3A_109, %slice3A_133 : vector<1x32x128xf32>
    %mul3A_140 = arith.mulf %mul3A_115, %slice3A_131 : vector<1x32x128xf32>
    %mul3A_141 = arith.mulf %mul3A_121, %slice3A_132 : vector<1x32x128xf32>
    %mul3A_142 = arith.mulf %sub3A_130, %slice3A_133 : vector<1x32x128xf32>
    %mul3A_143 = arith.mulf %mul3A_134, %mul3A_134 : vector<1x32x128xf32>
    %mul3A_144 = arith.mulf %mul3A_135, %mul3A_135 : vector<1x32x128xf32>
    %add3A_145 = arith.addf %mul3A_143, %mul3A_144 : vector<1x32x128xf32>
    %mul3A_146 = arith.mulf %mul3A_136, %mul3A_136 : vector<1x32x128xf32>
    %add3A_147 = arith.addf %add3A_145, %mul3A_146 : vector<1x32x128xf32>
    %mul3A_148 = arith.mulf %mul3A_134, %mul3A_137 : vector<1x32x128xf32>
    %mul3A_149 = arith.mulf %mul3A_135, %mul3A_138 : vector<1x32x128xf32>
    %add3A_150 = arith.addf %mul3A_148, %mul3A_149 : vector<1x32x128xf32>
    %mul3A_151 = arith.mulf %mul3A_136, %mul3A_139 : vector<1x32x128xf32>
    %add3A_152 = arith.addf %add3A_150, %mul3A_151 : vector<1x32x128xf32>
    %mul3A_153 = arith.mulf %mul3A_134, %mul3A_140 : vector<1x32x128xf32>
    %mul3A_154 = arith.mulf %mul3A_135, %mul3A_141 : vector<1x32x128xf32>
    %add3A_155 = arith.addf %mul3A_153, %mul3A_154 : vector<1x32x128xf32>
    %mul3A_156 = arith.mulf %mul3A_136, %mul3A_142 : vector<1x32x128xf32>
    %add3A_157 = arith.addf %add3A_155, %mul3A_156 : vector<1x32x128xf32>
    %mul3A_158 = arith.mulf %mul3A_137, %mul3A_137 : vector<1x32x128xf32>
    %mul3A_159 = arith.mulf %mul3A_138, %mul3A_138 : vector<1x32x128xf32>
    %add3A_160 = arith.addf %mul3A_158, %mul3A_159 : vector<1x32x128xf32>
    %mul3A_161 = arith.mulf %mul3A_139, %mul3A_139 : vector<1x32x128xf32>
    %add3A_162 = arith.addf %add3A_160, %mul3A_161 : vector<1x32x128xf32>
    %mul3A_163 = arith.mulf %mul3A_137, %mul3A_140 : vector<1x32x128xf32>
    %mul3A_164 = arith.mulf %mul3A_138, %mul3A_141 : vector<1x32x128xf32>
    %add3A_165 = arith.addf %mul3A_163, %mul3A_164 : vector<1x32x128xf32>
    %mul3A_166 = arith.mulf %mul3A_139, %mul3A_142 : vector<1x32x128xf32>
    %add3A_167 = arith.addf %add3A_165, %mul3A_166 : vector<1x32x128xf32>
    %mul3A_168 = arith.mulf %mul3A_140, %mul3A_140 : vector<1x32x128xf32>
    %mul3A_169 = arith.mulf %mul3A_141, %mul3A_141 : vector<1x32x128xf32>
    %add3A_170 = arith.addf %mul3A_168, %mul3A_169 : vector<1x32x128xf32>
    %mul3A_171 = arith.mulf %mul3A_142, %mul3A_142 : vector<1x32x128xf32>
    %add3A_172 = arith.addf %add3A_170, %mul3A_171 : vector<1x32x128xf32>
    %get3A_173 = arith.constant 0 : index
    %get3A_174 = arith.constant 0 : index
    %get3A_175 = arith.constant 0 : index
    %get3A_176 = vector.load %arg4[%get3A_173, %get3A_174, %get3A_175] : memref<1x32x128xf32, #tpu.memory_space<vmem>>, vector<1x32x128xf32>
    %gt3A = arith.constant 0.000000e+00 : f32
    %gt3A_177 = vector.broadcast %gt3A : f32 to vector<1x32x128xf32>
    %gt3A_178 = arith.cmpf ogt, %get3A_176, %gt3A_177 : vector<1x32x128xf32>
    %convert_element_type3A = arith.extui %gt3A_178 : vector<1x32x128xi1> to vector<1x32x128xi32>
    %convert_element_type3A_179 = arith.sitofp %convert_element_type3A : vector<1x32x128xi32> to vector<1x32x128xf32>
    %concatenate3A = tpu.concatenate %mul3A_10, %slice3A_11, %div3A_25, %logistic3A_35, %div3A_48, %div3A_52, %div3A_56, %div3A_60, %add3A_147, %add3A_152, %add3A_157, %add3A_152, %add3A_162, %add3A_167, %add3A_157, %add3A_167, %add3A_172, %convert_element_type3A_179 in 0 : vector<3x32x128xf32>, vector<4x32x128xf32>, vector<3x32x128xf32>, vector<1x32x128xf32>, vector<3x32x128xf32>, vector<9x32x128xf32>, vector<15x32x128xf32>, vector<21x32x128xf32>, vector<1x32x128xf32>, vector<1x32x128xf32>, vector<1x32x128xf32>, vector<1x32x128xf32>, vector<1x32x128xf32>, vector<1x32x128xf32>, vector<1x32x128xf32>, vector<1x32x128xf32>, vector<1x32x128xf32>, vector<1x32x128xf32> -> vector<69x32x128xf32>
    %swap3A = arith.constant 0 : index
    %swap3A_180 = arith.constant 0 : index
    %swap3A_181 = arith.constant 0 : index
    %swap3A_182 = vector.load %arg5[%swap3A, %swap3A_180, %swap3A_181] : memref<69x32x128xf32, #tpu.memory_space<vmem>>, vector<69x32x128xf32>
    tpu.vector_store %arg5[%swap3A, %swap3A_180, %swap3A_181], %concatenate3A {strides = array<i32>} : memref<69x32x128xf32, #tpu.memory_space<vmem>>, vector<69x32x128xf32>,
    return
  }
  func.func @transform_0(%arg0: i32) -> (i32, i32) {
    %c0_i32 = arith.constant 0 : i32
    %c0_i32_0 = arith.constant 0 : i32
    %c0_i32_1 = arith.constant 0 : i32
    return %c0_i32, %c0_i32_0 : i32, i32
  }
  func.func @transform_1(%arg0: i32) -> (i32, i32) {
    %c0_i32 = arith.constant 0 : i32
    %c0_i32_0 = arith.constant 0 : i32
    %c0_i32_1 = arith.constant 0 : i32
    return %c0_i32, %c0_i32_0 : i32, i32
  }
  func.func @transform_2(%arg0: i32) -> (i32, i32, i32) {
    %c0_i32 = arith.constant 0 : i32
    %c0_i32_0 = arith.constant 0 : i32
    %c0_i32_1 = arith.constant 0 : i32
    return %c0_i32, %arg0, %c0_i32_0 : i32, i32, i32
  }
  func.func @transform_3(%arg0: i32) -> (i32, i32, i32) {
    %c0_i32 = arith.constant 0 : i32
    %c0_i32_0 = arith.constant 0 : i32
    %c0_i32_1 = arith.constant 0 : i32
    return %c0_i32, %arg0, %c0_i32_0 : i32, i32, i32
  }
  func.func @transform_4(%arg0: i32) -> (i32, i32, i32) {
    %c0_i32 = arith.constant 0 : i32
    %c0_i32_0 = arith.constant 0 : i32
    %c0_i32_1 = arith.constant 0 : i32
    return %c0_i32, %arg0, %c0_i32_0 : i32, i32, i32
  }
}

</mosaic_0001>

<sc_bundles>
// kernel: kernel.5.cloned.1.call-start
scs
__scs_entry_jumppad:
0x0: {  	(pc) =	sbr.rel $0x88, $3  }
0x1: {  	(tag) =	ssettag $0x0;
	lr =	simm.s32 $0x1  }
0x2: {  	[smem:$0x3F9E] =	sst lr;
	_ =	strace $0xD0000000  }
0x3: {  	_ = 	snop  }
0x4: {  	_ = 	snop  }
0x5: {  	_ = 	snop  }
0x6: {  	_ = 	snop  }
0x7: {  	_ = 	snop  }
__scs_overlays_trampoline_lowered:
0x8: {  	[smem:$0x3FAD] =	sst s0  }
0x9: {  	[smem:$0x3FAE] =	sst s1  }
0xa: {  	[smem:$0x3FAF] =	sst s2  }
0xb: {  	[smem:$0x3FB0] =	sst s3  }
0xc: {  	[smem:$0x3FB1] =	sst s4  }
0xd: {  	[smem:$0x3FB2] =	sst s5  }
0xe: {  	[smem:$0x3FB3] =	sst s6  }
0xf: {  	[smem:$0x3FB4] =	sst s7  }
0x10: {  	[smem:$0x3FB5] =	sst s8  }
0x11: {  	[smem:$0x3FB6] =	sst s9;
	s0 =	simm.s32 @!p0 $0x0  }
0x12: {  	s1 =	sld [smem:$0x3F9C];
	s0 =	simm.s32 @p0 $0x1  }
0x13: {  	[smem:$0x3FB7] =	sst s0;
	s0 =	simm.s32 @!p1 $0x0  }
0x14: {  	s2 =	sld [smem:$0x3F9B];
	s0 =	simm.s32 @p1 $0x1  }
0x15: {  	[smem:$0x3FB8] =	sst s0;
	s0 =	simm.s32 @!p2 $0x0  }
0x16: {  	s3 =	sld [smem:$0x3FDB];
	s0 =	simm.s32 @p2 $0x1  }
0x17: {  	s4 =	simm.s32 $0x1BF5;
	[smem:$0x3FBA] =	sst s0  }
0x18: {  	s0 =	sld [smem:$0x3F9D];
	_ =	swait.ge [sflag:s4], $0x0  }
0x19: {  	s7 =	sld [smem:$0x3F9E]  }
0x1a: {  	s8 =	sadd.s32 $0xFFFFE003, lr  }
0x1b: {  	s9 =	sadd.s32 $0xFFFFFEF7, lr;
	s5 =	simm.s32 $0xFFFFFFFF;
	p2 =	slt.u32 s8, $0xFFFFF086  }
0x1c: {  	p1 =	slt.u32 s9, $0xF7A;
	s5 =	simm.s32 @!p2 $0x0  }
0x1d: {  	s5 =	simm.s32 @p1 $0x1;
	p0 =	seq.s32 s7, s2  }
0x1e: {  	s7 =	smul.u32 @!p0 $0xF7A, s2;
	p2 =	seq.s32 @!p0 s5, $0x0  }
0x1f: {  	s9 =	smul.u32 $0xF7A, s1;
	s8 =	simm.s32 @!p0 $0x1BF5;
	p2 =	por !p2, p0  }
0x20: {  	[sflag:s8] =	ssyncset.s32 @!p0 $0xFFFFF086;
	s6 =	sadd.s32 @!p0 s3, s7;
	s7 =	simm.s32 @!p0 $0x108  }
0x21: {  	s3 =	sadd.s32 s3, s9;
	s6 =	sadd.s32 @!p0 $0x88, s6;
	s7 =	simm.s32 @p2 $0x1082  }
0x22: {  	[simem:s7], [sflag:s8] =	dma.local @!p0 [hbm:s6], $0xF7A  }
0x23: {  	s9 =	sor.u32 $0xD0000000, s2;
	s6 =	simm.s32 $0x108;
	_ =	swait.ge @!p0 [sflag:s8], $0x0  }
0x24: {  	s3 =	sadd.s32 $0x88, s3;
	s6 =	simm.s32 @!p1 $0x1082;
	[sflag:s4] =	ssyncset.s32 $0xFFFFF086  }
0x25: {  	[simem:s6], [sflag:s4] =	dma.local [hbm:s3], $0xF7A  }
0x26: {  	[smem:$0x3F9E] =	sst s1;
	(tag) =	ssettag s2;
	_ =	strace s9  }
0x27: {  	s1 =	sld [smem:$0x3FAE]  }
0x28: {  	s2 =	sld [smem:$0x3FAF]  }
0x29: {  	s4 =	sld [smem:$0x3FB1]  }
0x2a: {  	p0 =	seq.s32 s5, $0x0;
	s5 =	sld [smem:$0x3FB2]  }
0x2b: {  	s6 =	sld [smem:$0x3FB3]  }
0x2c: {  	s7 =	sld [smem:$0x3FB4]  }
0x2d: {  	s3 =	simm.s32 $0x108;
	s8 =	sld [smem:$0x3FB5]  }
0x2e: {  	s3 =	simm.s32 @!p0 $0x1082;
	s9 =	sld [smem:$0x3FB6]  }
0x2f: {  	lr =	sadd.s32 s0, s3;
	s0 =	sld [smem:$0x3FAD]  }
0x30: {  	s3 =	sld [smem:$0x3FB0]  }
0x31: {  	[smem:$0x3FB9] =	sst s10  }
0x32: {  	s10 =	sld [smem:$0x3FB7];
	_ =	sdelay $0x3  }
0x33: {  	p0 =	seq.s32 s10, $0x1;
	s10 =	sld [smem:$0x3FB9];
	_ =	sdelay $0x3  }
0x34: {  	[smem:$0x3FB9] =	sst s10  }
0x35: {  	s10 =	sld [smem:$0x3FB8];
	_ =	sdelay $0x3  }
0x36: {  	p1 =	seq.s32 s10, $0x1;
	s10 =	sld [smem:$0x3FB9];
	_ =	sdelay $0x3  }
0x37: {  	[smem:$0x3FB9] =	sst s10  }
0x38: {  	s10 =	sld [smem:$0x3FBA]  }
0x39: {  	_ = 	snop;
	(pc) =	sbr.ind lr, $3  }
0x3a: {  	_ = 	snop  }
0x3b: {  	_ = 	snop  }
0x3c: {  	p2 =	seq.s32 s10, $0x1;
	s10 =	sld [smem:$0x3FB9]  }
0x3d: {  	_ =	shalt  }
0x3e: {  	_ =	shalt  }
0x3f: {  	_ =	shalt  }
0x40: {  	_ =	shalt  }
0x41: {  	_ =	shalt  }
0x42: {  	_ =	shalt  }
0x43: {  	_ =	shalt  }
0x44: {  	_ =	shalt  }
0x45: {  	_ =	shalt  }
0x46: {  	_ =	shalt  }
0x47: {  	_ =	shalt  }
0x48: {  	_ =	shalt  }
0x49: {  	_ =	shalt  }
0x4a: {  	_ =	shalt  }
0x4b: {  	_ =	shalt  }
0x4c: {  	_ =	shalt  }
0x4d: {  	_ =	shalt  }
0x4e: {  	_ =	shalt  }
0x4f: {  	_ =	shalt  }
0x50: {  	_ =	shalt  }
0x51: {  	_ =	shalt  }
0x52: {  	_ =	shalt  }
0x53: {  	_ =	shalt  }
0x54: {  	_ =	shalt  }
0x55: {  	_ =	shalt  }
0x56: {  	_ =	shalt  }
0x57: {  	_ =	shalt  }
0x58: {  	_ =	shalt  }
0x59: {  	_ =	shalt  }
0x5a: {  	_ =	shalt  }
0x5b: {  	_ =	shalt  }
0x5c: {  	_ =	shalt  }
0x5d: {  	_ =	shalt  }
0x5e: {  	_ =	shalt  }
0x5f: {  	_ =	shalt  }
0x60: {  	_ =	shalt  }
0x61: {  	_ =	shalt  }
0x62: {  	_ =	shalt  }
0x63: {  	_ =	shalt  }
0x64: {  	_ =	shalt  }
0x65: {  	_ =	shalt  }
0x66: {  	_ =	shalt  }
0x67: {  	_ =	shalt  }
0x68: {  	_ =	shalt  }
0x69: {  	_ =	shalt  }
0x6a: {  	_ =	shalt  }
0x6b: {  	_ =	shalt  }
0x6c: {  	_ =	shalt  }
0x6d: {  	_ =	shalt  }
0x6e: {  	_ =	shalt  }
0x6f: {  	_ =	shalt  }
0x70: {  	_ =	shalt  }
0x71: {  	_ =	shalt  }
0x72: {  	_ =	shalt  }
0x73: {  	_ =	shalt  }
0x74: {  	_ =	shalt  }
0x75: {  	_ =	shalt  }
0x76: {  	_ =	shalt  }
0x77: {  	_ =	shalt  }
0x78: {  	_ =	shalt  }
0x79: {  	_ =	shalt  }
0x7a: {  	_ =	shalt  }
0x7b: {  	_ =	shalt  }
0x7c: {  	_ =	shalt  }
0x7d: {  	_ =	shalt  }
0x7e: {  	_ =	shalt  }
0x7f: {  	_ =	shalt  }
0x80: {  	_ =	shalt  }
0x81: {  	_ =	shalt  }
0x82: {  	_ =	shalt  }
0x83: {  	_ =	shalt  }
0x84: {  	_ =	shalt  }
0x85: {  	_ =	shalt  }
0x86: {  	_ =	shalt  }
0x87: {  	_ =	shalt  }
.Lfunc_end0:
.L_simem_size_0:
called_computation.2_lowered:
.L_overlay_start_0:
0x88: {  	s2 =	sld [smem:$0x3FD9]  }
0x89: {  	s3 =	sld [smem:$0x3FFE];
	_ =	sdelay $0x1  }
0x8a: {  	s1 =	srdreg.scid  }
0x8b: {  	s0 =	sand.u32 $0x1, s1  }
0x8c: {  	s17 =	sshll.u32 s0, $0xA;
	s2 =	sadd.s32 s3, s2  }
0x8d: {  	s2 =	sadd.s32 s2, s17  }
0x8e: {  	[smem:$0x3FC5] =	sst s2  }
0x8f: {  	_ = 	snop  }
0x90: {  	(tm) =	ssettm $0x1  }
0x91: {  	s18 =	sld [smem:$0x3FFB];
	_ =	sdelay $0x3  }
0x92: {  	_ =	strace s18  }
0x93: {  	s2 =	sld [smem:$0x3FFC];
	_ =	sdelay $0x3  }
0x94: {  	_ =	strace s2  }
0x95: {  	s2 =	sld [smem:$0x3FFD];
	_ =	sdelay $0x3  }
0x96: {  	_ =	strace s2  }
0x97: {  	_ =	strace $0x8FFFFFFF  }
0x98: {  	s19 =	sld [smem:$0x3FDB];
	_ =	sdelay $0x1  }
0x99: {  	s20 =	simm.s32 $_scs_section_size  }
0x9a: {  	s4 =	simm.s32 $_size__tile_overlayer_lowered;
	s5 =	simm.s32 $_tile_overlayer_lowered  }
0x9b: {  	s6 =	simm.s32 $0x1BFF;
	s21 =	sshll.u32 s5, $0x1;
	s3 =	sadd.s32 s20, s19  }
0x9c: {  	s22 =	simm.s32 $0x0;
	s4 =	sshll.u32 s4, $0x1;
	s5 =	sadd.s32 s21, s3  }
0x9d: {  	[timem:s22], [sflag:s6] =	dma.local [hbm:s5], s4  }
0x9e: {  	_ =	swait.ge [sflag:s6], s4  }
0x9f: {  	s4 =	ssub.s32 $0x0, s4;
	[sflag:s6] =	ssyncset.done $0x0  }
0xa0: {  	[sflag:s6] =	ssyncadd.s32 s4;
	_ =	sdelay $0x1  }
0xa1: {  	s23 =	simm.s32 $0x1B8B  }
0xa2: {  	_ =	swait.ge [sflag:s23], $0x1  }
0xa3: {  	[sflag:s23] =	ssyncset.done $0x0  }
0xa4: {  	[sflag:s23] =	ssyncadd.s32 $0xFFFFFFFF  }
0xa5: {  	s4 =	sld [smem:$0x0]  }
0xa6: {  	s5 =	sand.u32 $0xFFFFFFFE, s1  }
0xa7: {  	p0 =	sne.s32 s1, s5  }
0xa8: {  	s5 =	sshll.u32 @p0 s5, $0xE  }
0xa9: {  	s5 =	sadd.s32 @p0 $0x11B8D, s5;
	s6 =	sshll.u32 @p0 s4, $0x11  }
0xaa: {  	s5 =	sor.u32 @p0 s6, s5  }
0xab: {  	[sflag:s5] =	ssyncadd.remote.s32 @p0 $0x1;
	_ =	sdelay $0x1  }
0xac: {  	s5 =	simm.s32 @p0 $0x1B8D  }
0xad: {  	_ =	swait.eq @p0 [sflag:s5], $0x1  }
0xae: {  	[sflag:s5] =	ssyncadd.s32 @p0 $0xFFFFFFFF  }
0xaf: {  	s6 =	sshll.u32 @!p0 s1, $0xE  }
0xb0: {  	s6 =	sor.u32 @!p0 $0x4000, s6;
	s5 =	simm.s32 @!p0 $0x1B8D  }
0xb1: {  	s4 =	sshll.u32 @!p0 s4, $0x11;
	s6 =	sadd.s32 @!p0 $0x11B8D, s6;
	_ =	swait.eq @!p0 [sflag:s5], $0x1  }
0xb2: {  	s4 =	sor.u32 @!p0 s4, s6;
	[sflag:s5] =	ssyncadd.s32 @!p0 $0xFFFFFFFF  }
0xb3: {  	s25 =	simm.s32 $0x1B8E;
	s24 =	sld [smem:$0x3FFE];
	[sflag:s4] =	ssyncadd.remote.s32 @!p0 $0x1  }
0xb4: {  	s26 =	simm.s32 $execute0_lowered;
	[smem:$0x3FD2] =	sst s25  }
0xb5: {  	s5 =	sshll.u32 s26, $0x1;
	_ =	strace $0x80000049;
	[dreg:$0x1] =	wrdreg $0xFFFFFFFF  }
0xb6: {  	s28 =	simm.s32 $_size_execute0_lowered;
	s3 =	sadd.s32 s3, s5;
	[dreg:$0x0] =	wrdreg $0x0  }
0xb7: {  	s5 =	sshll.u32 s28, $0x1;
	[dreg:$0x2] =	wrdreg s3  }
0xb8: {  	[dreg:$0x3] =	wrdreg s5  }
0xb9: {  	[dreg:$0x4] =	wrdreg $0xC0  }
0xba: {  	_ =	task [dreg:s22], $0x5FFFF  }
0xbb: {  	[dreg:$0x1] =	wrdreg $0xFFFFFFFF  }
0xbc: {  	[dreg:$0x0] =	wrdreg $0x60  }
0xbd: {  	[dreg:$0x2] =	wrdreg s24  }
0xbe: {  	[dreg:$0x3] =	wrdreg $0x0  }
0xbf: {  	[dreg:$0x4] =	wrdreg $0xA  }
0xc0: {  	_ =	task.clear_ibuf [dreg:s22], $0x5FFFF;
	_ =	strace $0x90000049  }
0xc1: {  	s29 =	simm.s32 $0xA;
	_ =	strace $0x8000004B  }
0xc2: {  	_ =	swait.ge [sflag:s29], $0x1  }
0xc3: {  	[sflag:s29] =	ssyncadd.s32 $0xFFFFFFFF  }
0xc4: {  	_ =	strace $0x9000004B  }
0xc5: {  	_ =	sfence  }
0xc6: {  	s30 =	sld [smem:$0x0];
	_ =	sdelay $0x2  }
0xc7: {  	s31 =	sshll.u32 s1, $0xD;
	s1 =	sshrl.u32 s1, $0x2  }
0xc8: {  	s4 =	sand.u32 $0x4000, s31;
	s1 =	sadd.s32 s1, s30  }
0xc9: {  	s0 =	sor.u32 s4, s0;
	s1 =	sshll.u32 s1, $0x11  }
0xca: {  	s0 =	sor.u32 s1, s0  }
0xcb: {  	s0 =	sadd.s32 $0x8F2B, s0  }
0xcc: {  	[sflag:s0] =	ssyncadd.remote.s32 $0x1  }
0xcd: {  	_ =	sfence.sel $0xFFFF  }
0xce: {  	[dreg:$0x0] =	wrdreg $0xFFFFFFFF;
	(pc) =	sbr.abs _section_cstart, $3  }
0xcf: {  	[dreg:$0x1] =	wrdreg $0xFFFFFFFF  }
0xd0: {  	_ =	task.clear_ibuf [dreg:s22], $0x2FFFF;
	_ =	strace $0x9FFFFFFF  }
0xd1: {  	(tm) =	ssettm $0x7FFFFFFF  }
tec
execute0_lowered:
.L_overlay_start_1:
0x0: {  	(tag) =	ssettag $0x1  }
0x1: {  	s5 =	rddreg [dreg:$0x0]  }
0x2: {  	s2 =	rddreg [dreg:$0x1]  }
0x3: {  	s0 =	rddreg [dreg:$0x2]  }
0x4: {  	s4 =	srdreg.scid;
	s3 =	simm.s32 $0x0;
	s1 =	stileid.u32  }
0x5: {  	s15 =	simm.s32 $0x6000;
	s16 =	simm.s32 $0x8000;
	s18 =	simm.s32 $0x2  }
0x6: {  	s19 =	simm.s32 $0x1;
	s20 =	simm.s32 $0x2000;
	s21 =	simm.s32 $0xA000  }
0x7: {  	s22 =	simm.s32 $0xC000;
	s23 =	simm.s32 $0x3;
	s24 =	simm.s32 $0x80  }
0x8: {  	s25 =	simm.s32 $0x400;
	s4 =	sand.u32 $0x1, s4;
	[smem:$0x7FF] =	sst s3  }
0x9: {  	s6 =	sshll.u32 s1, $0xA;
	s26 =	sshll.u32 s1, $0x4;
	s30 =	sshll.u32 s1, $0xE  }
0xa: {  	s31 =	sshll.u32 s1, $0x6;
	s7 =	sshll.u32 s4, $0xE;
	_ =	strace $0x8000004A  }
0xb: {  	s8 =	ssub.s32 $0x2, s4;
	s9 =	sadd.s32 s6, s5;
	s28 =	sand.u32 $0x70, s26  }
0xc: {  	s4 =	sadd.s32 $0x25200, s5;
	s17 =	sadd.s32 s30, s2;
	s26 =	simm.s32 $0x0  }
0xd: {  	s10 =	sor.u32 s6, s7;
	s29 =	sshrl.u32 s8, $0x1;
	s12 =	sadd.s32 s28, s5  }
0xe: {  	s6 =	sadd.s32 $0x1D200, s9;
	s7 =	sadd.s32 $0x19200, s9;
	s17 =	sshrl.u32 s17, $0x3  }
0xf: {  	s11 =	sadd.s32 s10, s5;
	s13 =	ssub.s32 s8, s29;
	s5 =	sadd.s32 $0x21200, s9  }
0x10: {  	s8 =	sor.u32 $0x1C01, s31;
	s14 =	sand.u32 $0x6000, s10;
	s9 =	sadd.s32 $0x11200, s11  }
0x11: {  	s10 =	sadd.s32 $0x9200, s11;
	s11 =	sadd.s32 $0x1200, s11;
	s12 =	sadd.s32 s14, s12  }
0x12: {  	v0 =	vimm.f32 $1.000000000e+00;
	s13 =	smax.u32 s13, $0x1;
	s14 =	simm.s32 $0x4000;
	s12 =	sadd.s32 $0x25A00, s12  }
.LBB2_1:
0x13: {  	[tilespmem:s14], [sflag:$0x2] =	stream.linear.gather [hbm4b:s5+s3], $0x2000, $0x38;
	[tilespmem:$0xE000] =	vst v63  }
0x14: {  	_ = 	snop  }
0x15: {  	[tilespmem:s15], [sflag:$0x2] =	stream.linear.gather [hbm4b:s6+s3], $0x2000, $0x38;
	[tilespmem:$0xE000] =	vst v63  }
0x16: {  	s28 =	simm.s32 $0x40;
	s29 =	simm.s32 $0x0  }
0x17: {  	[tilespmem:s16], [sflag:$0x2] =	stream.linear.gather [hbm4b:s7+s3], $0x2000, $0x38;
	[tilespmem:$0xE000] =	vst v63  }
0x18: {  	[spmem:s17], [sflag:s8] =	dma.local [hbm:s4], $0x800  }
.LBB2_2:
0x19: {  	p0 =	sne.s32 s28, $0x7FC0;
	[tilespmem:s29+$0xC000] =	vst v0;
	s29 =	smov.u32 s28;
	s28 =	sadd.s32 $0x40, s28  }
.Ltmp0:
0x1a: {  	(pc) =	sbr.rel @p0 .LBB2_2-.Ltmp0, $2  }
0x1b: {  	_ =	sdelay $0x2  }
0x1c: {  	s29 =	sshra.s32 s29, $0x2  }
0x1d: {  	[tilespmem:s29+$0xC000] =	vst v0  }
0x1e: {  	_ =	swait.ge [sflag:s18], $0x2000  }
0x1f: {  	[sflag:s18] =	ssyncset.done $0x0  }
0x20: {  	[sflag:s18] =	ssyncadd.s32 $0xFFFFE000  }
0x21: {  	_ =	swait.ge [sflag:s18], $0x2000  }
0x22: {  	[sflag:s18] =	ssyncset.done $0x0  }
0x23: {  	[sflag:s18] =	ssyncadd.s32 $0xFFFFE000  }
0x24: {  	_ =	swait.ge [sflag:s18], $0x2000  }
0x25: {  	[sflag:s18] =	ssyncset.done $0x0  }
0x26: {  	s28 =	simm.s32 $0x0;
	[sflag:s18] =	ssyncadd.s32 $0xFFFFE000  }
0x27: {  	v1 =	vld [tilespmem:s28+$0x4000]  }
0x28: {  	v2 =	vld [tilespmem:s28+$0x6000]  }
0x29: {  	v3 =	vld [tilespmem:s28+$0x8000]  }
0x2a: {  	s29 =	simm.s32 $0x40  }
.LBB2_4:
0x2b: {  	p0 =	sne.s32 s29, $0x7FC0  }
.Ltmp1:
0x2c: {  	s30 =	sshra.s32 s29, $0x2;
	v4 =	vmov v1;
	(pc) =	sbr.rel @p0 .LBB2_4-.Ltmp1, $4  }
0x2d: {  	s29 =	sadd.s32 $0x40, s29;
	v1 =	vld [tilespmem:s30+$0x4000];
	v5 =	vshll.u32 v2, $0x6  }
0x2e: {  	v2 =	vld [tilespmem:s30+$0x6000];
	v4 =	vadd.s32 v4, v5;
	v5 =	vshll.u32 v3, $0xC  }
0x2f: {  	v3 =	vld [tilespmem:s30+$0x8000];
	v4 =	vadd.s32 v5, v4  }
0x30: {  	[tilespmem:s28+$0xA000] =	vst v4;
	s28 =	smov.u32 s30  }
0x31: {  	_ =	sdelay $0x1  }
0x32: {  	v2 =	vshll.u32 v2, $0x6  }
0x33: {  	v1 =	vadd.s32 v1, v2;
	v2 =	vshll.u32 v3, $0xC  }
0x34: {  	v1 =	vadd.s32 v2, v1  }
0x35: {  	[tilespmem:s28+$0xA000] =	vst v1  }
0x36: {  	_ =	swait.ge [sflag:s19], $0x800  }
0x37: {  	[sflag:s19] =	ssyncset.done $0x0  }
0x38: {  	[sflag:s19] =	ssyncadd.s32 $0xFFFFF800  }
0x39: {  	[bflag:$0x0] =	sbarrier.arrive $0xFFFF  }
0x3a: {  	[spmem:s2] =	stream.indirect.scatter [tilespmem:s22], [sflag:$0x3], $0x1, s21, s20, $0xb8;
	[tilespmem:$0xE000] =	vst v63  }
0x3b: {  	_ =	swait.ge [sflag:s23], $0x2000  }
0x3c: {  	[sflag:s23] =	ssyncset.done $0x0  }
0x3d: {  	[sflag:s23] =	ssyncadd.s32 $0xFFFFE000  }
0x3e: {  	s28 =	simm.s32 $0x0;
	[bflag:$0x0] =	sbarrier.arrive $0xFFFF  }
0x3f: {  	[tilespmem:s14], [sflag:$0x2] =	stream.linear.gather [hbm4b:s9+s28], $0x2000, $0x38;
	[tilespmem:$0xE000] =	vst v63  }
0x40: {  	_ = 	snop  }
0x41: {  	[tilespmem:s15], [sflag:$0x2] =	stream.linear.gather [hbm4b:s10+s28], $0x2000, $0x38;
	[tilespmem:$0xE000] =	vst v63  }
0x42: {  	_ = 	snop  }
0x43: {  	[tilespmem:s16], [sflag:$0x2] =	stream.linear.gather [hbm4b:s11+s28], $0x2000, $0x38;
	[tilespmem:$0xE000] =	vst v63  }
0x44: {  	_ =	swait.ge [sflag:s18], $0x2000  }
0x45: {  	[sflag:s18] =	ssyncset.done $0x0  }
0x46: {  	[sflag:s18] =	ssyncadd.s32 $0xFFFFE000  }
0x47: {  	_ =	swait.ge [sflag:s18], $0x2000  }
0x48: {  	[sflag:s18] =	ssyncset.done $0x0  }
0x49: {  	[sflag:s18] =	ssyncadd.s32 $0xFFFFE000  }
0x4a: {  	_ =	swait.ge [sflag:s18], $0x2000  }
0x4b: {  	[sflag:s18] =	ssyncset.done $0x0  }
0x4c: {  	s28 =	simm.s32 $0x0;
	[sflag:s18] =	ssyncadd.s32 $0xFFFFE000  }
0x4d: {  	v1 =	vld [tilespmem:s28+$0x4000]  }
0x4e: {  	v2 =	vld [tilespmem:s28+$0x6000]  }
0x4f: {  	v3 =	vld [tilespmem:s28+$0x8000]  }
0x50: {  	s29 =	simm.s32 $0x40  }
.LBB2_6:
0x51: {  	p0 =	sne.s32 s29, $0x7FC0  }
.Ltmp2:
0x52: {  	s30 =	sshra.s32 s29, $0x2;
	v4 =	vmov v1;
	(pc) =	sbr.rel @p0 .LBB2_6-.Ltmp2, $4  }
0x53: {  	s29 =	sadd.s32 $0x40, s29;
	v1 =	vld [tilespmem:s30+$0x4000];
	v5 =	vshll.u32 v2, $0x6  }
0x54: {  	v2 =	vld [tilespmem:s30+$0x6000];
	v4 =	vadd.s32 v4, v5;
	v5 =	vshll.u32 v3, $0xC  }
0x55: {  	v3 =	vld [tilespmem:s30+$0x8000];
	v4 =	vadd.s32 v5, v4  }
0x56: {  	[tilespmem:s28+$0xA000] =	vst v4;
	s28 =	smov.u32 s30  }
0x57: {  	_ =	sdelay $0x1  }
0x58: {  	v2 =	vshll.u32 v2, $0x6  }
0x59: {  	v1 =	vadd.s32 v1, v2;
	v2 =	vshll.u32 v3, $0xC  }
0x5a: {  	v1 =	vadd.s32 v2, v1  }
0x5b: {  	[tilespmem:s28+$0xA000] =	vst v1  }
0x5c: {  	[tilespmem:s22], [sflag:$0x3] =	stream.indirect.gather [spmem:s2], $0x1, s21, s20, $0xb8;
	[tilespmem:$0xE000] =	vst v63  }
0x5d: {  	s26 =	sadd.s32 $0x1, s26;
	_ =	swait.ge [sflag:s23], $0x2000  }
0x5e: {  	p0 =	sne.s32 s26, s13;
	[sflag:s23] =	ssyncset.done $0x0  }
.Ltmp3:
0x5f: {  	[sflag:s23] =	ssyncadd.s32 $0xFFFFE000;
	(pc) =	sbr.rel @p0 .LBB2_1-.Ltmp3, $4  }
0x60: {  	[hbm4b:s12+s24] =	stream.strided.scatter [tilespmem:s22], [sflag:$0x3], $0x2000, s25, s24, $0x38;
	[tilespmem:$0xE000] =	vst v63  }
0x61: {  	_ =	swait.ge [sflag:s23], $0x2000  }
0x62: {  	[sflag:s23] =	ssyncset.done $0x0  }
0x63: {  	[sflag:s23] =	ssyncadd.s32 $0xFFFFE000  }
0x64: {  	_ =	sfence.sel $0x180000  }
0x65: {  	[bflag:$0x0] =	sbarrier.arrive $0xFFFF  }
0x66: {  	p0 =	sne.s32 s1, $0x0;
	_ =	strace $0x9000004A  }
0x67: {  	s0 =	sadd.s32 @!p0 $0x100000, s0;
	[bflag:$0x2] =	sbarrier.arrive $0xFFFF  }
0x68: {  	[sflag:s0] =	ssyncadd.tile.s32 @!p0 $0x1;
	_ =	shalt  }
.Lfunc_end2:
_tile_overlayer_lowered:
.L_overlay_start_2:
0x69: {  	(tag) =	ssettag $0x2  }
0x6a: {  	s0 =	rddreg [dreg:$0x0];
	s2 =	stileid.u32  }
0x6b: {  	s1 =	rddreg [dreg:$0x1];
	p0 =	sne.s32 s2, $0x0  }
0x6c: {  	s3 =	rddreg [dreg:$0x2];
	[bflag:$0x3] =	sbarrier.arrive $0xFFFF;
	s2 =	simm.s32 @!p0 $0x1C03  }
0x6d: {  	[timem:s3], [sflag:s2] =	dma.local @!p0 [hbm:s0], s1  }
0x6e: {  	s0 =	simm.s32 @!p0 $0x3  }
0x6f: {  	_ =	swait.ge @!p0 [sflag:s0], s1  }
0x70: {  	s1 =	ssub.s32 @!p0 $0x0, s1;
	[sflag:s0] =	ssyncset.done @!p0 $0x0  }
0x71: {  	[sflag:s0] =	ssyncadd.s32 @!p0 s1  }
0x72: {  	[bflag:$0x3] =	sbarrier.arrive $0xFFFF  }
0x73: {  	_ =	shalt  }

// kernel: sparse-core-data-format-call.1.cloned.1.call-start
scs
called_computation.1_lowered:
.L_overlay_start_0:
0x0: {  	s2 =	sld [smem:$0x3FD9]  }
0x1: {  	s3 =	sld [smem:$0x3FFE];
	_ =	sdelay $0x1  }
0x2: {  	s1 =	srdreg.scid  }
0x3: {  	s0 =	sand.u32 $0x1, s1  }
0x4: {  	s19 =	sshll.u32 s0, $0xA;
	s2 =	sadd.s32 s3, s2  }
0x5: {  	s2 =	sadd.s32 s2, s19  }
0x6: {  	[smem:$0x3FC5] =	sst s2  }
0x7: {  	_ = 	snop  }
0x8: {  	s2 =	sld [smem:$0x3FC9]  }
0x9: {  	s20 =	sld [smem:$0x3FD0];
	(tm) =	ssettm $0x1  }
0xa: {  	s4 =	sld [smem:$0x3FFB];
	_ =	sdelay $0x3  }
0xb: {  	_ =	strace s4  }
0xc: {  	s4 =	sld [smem:$0x3FFC];
	_ =	sdelay $0x3  }
0xd: {  	_ =	strace s4  }
0xe: {  	s4 =	sld [smem:$0x3FFD];
	_ =	sdelay $0x3  }
0xf: {  	_ =	strace s4  }
0x10: {  	_ =	strace $0x8FFFFFFF  }
0x11: {  	s21 =	sld [smem:$0x3FDB];
	_ =	sdelay $0x1  }
0x12: {  	s5 =	simm.s32 $_scs_section_size  }
0x13: {  	s6 =	simm.s32 $_size__tile_overlayer_lowered;
	s7 =	simm.s32 $_tile_overlayer_lowered  }
0x14: {  	s24 =	simm.s32 $0x1BFF;
	s23 =	sshll.u32 s7, $0x1;
	s4 =	sadd.s32 s5, s21  }
0x15: {  	s8 =	simm.s32 $0x0;
	s22 =	sshll.u32 s6, $0x1;
	s6 =	sadd.s32 s23, s4  }
0x16: {  	[timem:s8], [sflag:s24] =	dma.local [hbm:s6], s22  }
0x17: {  	_ =	swait.ge [sflag:s24], s22  }
0x18: {  	s5 =	ssub.s32 $0x0, s22;
	[sflag:s24] =	ssyncset.done $0x0  }
0x19: {  	[sflag:s24] =	ssyncadd.s32 s5;
	_ =	sdelay $0x1  }
0x1a: {  	s25 =	simm.s32 $0x1B8B  }
0x1b: {  	_ =	swait.ge [sflag:s25], $0x1  }
0x1c: {  	[sflag:s25] =	ssyncset.done $0x0  }
0x1d: {  	s26 =	simm.s32 $0x1B8E;
	[sflag:s25] =	ssyncadd.s32 $0xFFFFFFFF  }
0x1e: {  	s27 =	simm.s32 $execute0_lowered;
	[smem:$0x3FD2] =	sst s26  }
0x1f: {  	s5 =	sshll.u32 s27, $0x1;
	_ =	strace $0x80000046;
	[dreg:$0x1] =	wrdreg $0xFFFFFFFF  }
0x20: {  	s28 =	simm.s32 $_size_execute0_lowered;
	s4 =	sadd.s32 s4, s5;
	[dreg:$0x0] =	wrdreg $0x0  }
0x21: {  	s5 =	sshll.u32 s28, $0x1;
	[dreg:$0x2] =	wrdreg s4  }
0x22: {  	[dreg:$0x3] =	wrdreg s5  }
0x23: {  	[dreg:$0x4] =	wrdreg $0xC0  }
0x24: {  	_ =	task [dreg:s8], $0x5FFFF  }
0x25: {  	[dreg:$0x1] =	wrdreg $0xFFFFFFFF  }
0x26: {  	[dreg:$0x0] =	wrdreg $0x60  }
0x27: {  	[dreg:$0x2] =	wrdreg s2  }
0x28: {  	[dreg:$0x3] =	wrdreg s20  }
0x29: {  	[dreg:$0x4] =	wrdreg $0x9  }
0x2a: {  	_ =	task.clear_ibuf [dreg:s8], $0x5FFFF;
	_ =	strace $0x90000046  }
0x2b: {  	s29 =	simm.s32 $0x9;
	_ =	strace $0x80000048  }
0x2c: {  	_ =	swait.ge [sflag:s29], $0x1  }
0x2d: {  	[sflag:s29] =	ssyncadd.s32 $0xFFFFFFFF  }
0x2e: {  	_ =	strace $0x90000048  }
0x2f: {  	_ =	sfence  }
0x30: {  	s30 =	sld [smem:$0x0];
	_ =	sdelay $0x2  }
0x31: {  	s31 =	sshll.u32 s1, $0xD;
	s1 =	sshrl.u32 s1, $0x2  }
0x32: {  	s3 =	sand.u32 $0x4000, s31;
	s1 =	sadd.s32 s1, s30  }
0x33: {  	s0 =	sor.u32 s3, s0;
	s1 =	sshll.u32 s1, $0x11  }
0x34: {  	s0 =	sor.u32 s1, s0  }
0x35: {  	s0 =	sadd.s32 $0x8F2B, s0  }
0x36: {  	[sflag:s0] =	ssyncadd.remote.s32 $0x1  }
0x37: {  	_ =	sfence.sel $0xFFFF  }
0x38: {  	[dreg:$0x0] =	wrdreg $0xFFFFFFFF;
	(pc) =	sbr.abs _section_cstart, $3  }
0x39: {  	[dreg:$0x1] =	wrdreg $0xFFFFFFFF  }
0x3a: {  	_ =	task.clear_ibuf [dreg:s8], $0x2FFFF;
	_ =	strace $0x9FFFFFFF  }
0x3b: {  	(tm) =	ssettm $0x7FFFFFFF  }
tec
execute0_lowered:
.L_overlay_start_1:
0x0: {  	(tag) =	ssettag $0x1  }
0x1: {  	s0 =	stileid.u32;
	s1 =	srdreg.scid  }
0x2: {  	s4 =	rddreg [dreg:$0x1];
	s7 =	simm.s32 $0x1;
	s8 =	simm.s32 $0x2  }
0x3: {  	s15 =	simm.s32 $0x0;
	s2 =	sshll.u32 s0, $0x1;
	s1 =	sshll.u32 s1, $0x5  }
0x4: {  	s9 =	simm.s32 $0x800;
	s10 =	simm.s32 $0x40000;
	s1 =	sor.u32 s2, s1  }
0x5: {  	s11 =	simm.s32 $0x0;
	s16 =	simm.s32 $0x0;
	s3 =	sand.u32 $0x30, s1  }
0x6: {  	s14 =	simm.s32 $0x0;
	s2 =	rddreg [dreg:$0x0];
	s6 =	ssub.s32 $0x800, s3  }
.Ltmp0:
0x7: {  	s1 =	rddreg [dreg:$0x2];
	s5 =	sand.u32 $0x30, s6;
	(pc) =	sbr.rel .LBB1_1-.Ltmp0, $4  }
0x8: {  	_ =	strace $0x80000047;
	s12 =	smov.u32 s3;
	p0 =	sne.s32 s5, $0x0  }
0x9: {  	s6 =	sshrl.u32 s6, $0x6;
	s5 =	simm.s32 $0x1;
	s7 =	simm.s32 @!p0 $0x0  }
0xa: {  	[sflag:s5] =	ssyncpa.u1 $0x0;
	s6 =	sadd.s32 s7, s6;
	s7 =	sand.u32 $0x7, s0  }
0xb: {  	[sflag:s8] =	ssyncpa.u1 $0x0;
	s8 =	sadd.s32 $0x1, s6;
	s13 =	smov.u32 s7  }
.LBB1_7:
0xc: {  	s17 =	sadd.s32 $0x40, s12  }
0xd: {  	s15 =	sadd.s32 $0x8, s13;
	s19 =	smov.u32 s13;
	p1 =	sgt.s32 s17, $0x7FF  }
0xe: {  	s19 =	smov.u32 @p1 s15  }
0xf: {  	s17 =	smov.u32 @p1 s3;
	p1 =	sgt.s32 s19, $0x7  }
0x10: {  	s19 =	smov.u32 @p1 s7;
	p1 =	sne.s32 s14, s8  }
.Ltmp1:
0x11: {  	p0 =	slt.u32 s14, $0x2;
	(pc) =	sbr.rel @!p1 .LBB1_8-.Ltmp1, $4  }
0x12: {  	s18 =	simm.s32 @!p0 $0x2  }
0x13: {  	s16 =	smov.u32 s13;
	s11 =	sadd.s32 $0x4000, s11;
	_ =	swait.ge @!p0 [sflag:s18], $0x4000  }
0x14: {  	s15 =	smov.u32 s12;
	[sflag:s18] =	ssyncset.done @!p0 $0x0;
	s12 =	smov.u32 s17  }
0x15: {  	s14 =	sadd.s32 $0x1, s14;
	[sflag:s18] =	ssyncadd.s32 @!p0 $0xFFFFC000;
	s13 =	smov.u32 s19  }
.LBB1_1:
0x16: {  	p0 =	sge.u32 s14, s6  }
0x17: {  	s31 =	sadd.s32 $0xFFFFFFFF, s14;
	s17 =	sxor.u32 @!p0 $0xFFFFFFFF, s14;
	s18 =	sshll.u32 @!p0 s13, $0x12  }
0x18: {  	s19 =	sshll.u32 @!p0 s12, $0x7;
	s17 =	sshll.u32 @!p0 s17, $0xE;
	s18 =	sadd.s32 @!p0 s2, s18  }
0x19: {  	s17 =	sand.u32 @!p0 $0x4000, s17;
	s18 =	sadd.s32 @!p0 s19, s18;
	s19 =	simm.s32 @!p0 $0x0  }
0x1a: {  	[tilespmem:s17], [sflag:$0x1] =	stream.linear.gather @!p0 [hbm4b:s18+s19], $0x4000, $0x38;
	[tilespmem:$0x10000] =	vst v63  }
0x1b: {  	p0 =	sge.u32 s31, s6  }
.Ltmp2:
0x1c: {  	_ = 	snop;
	(pc) =	sbr.rel @p0 .LBB1_7-.Ltmp2, $1  }
0x1d: {  	_ =	sdelay $0x3  }
0x1e: {  	s18 =	sand.u32 $0x4000, s11  }
0x1f: {  	_ =	swait.ge [sflag:s5], $0x4000;
	s20 =	sshll.u32 s14, $0xE;
	s17 =	sor.u32 $0x8040, s18  }
0x20: {  	s19 =	sor.u32 $0x40, s18;
	[sflag:s5] =	ssyncset.done $0x0;
	s31 =	sand.u32 $0x4000, s20  }
0x21: {  	s20 =	simm.s32 $0x0;
	[sflag:s5] =	ssyncadd.s32 $0xFFFFC000;
	s18 =	sor.u32 $0x8000, s31  }
.LBB1_3:
0x22: {  	v0 =	vmov s19;
	_ =	sdelay $0x3  }
0x23: {  	s22 =	simm.s32 $0x0  }
0x24: {  	v6 =	vld.idx.msk [tilespmem:v0+s22+$0x30 ss:$0x1], $0xffff  }
0x25: {  	v7 =	vld.idx.msk [tilespmem:v0+s22+$0xFFFFFFC0 ss:$0x1], $0xffff  }
0x26: {  	v5 =	vld.idx.msk [tilespmem:v0+s22+$0xFFFFFFD0 ss:$0x1], $0xffff  }
0x27: {  	v4 =	vld.idx.msk [tilespmem:v0+s22+$0xFFFFFFE0 ss:$0x1], $0xffff  }
0x28: {  	v3 =	vld.idx.msk [tilespmem:v0+s22+$0xFFFFFFF0 ss:$0x1], $0xffff  }
0x29: {  	v1 =	vld.idx.msk [tilespmem:v0+s22+$0x0 ss:$0x1], $0xffff  }
0x2a: {  	v2 =	vld.idx.msk [tilespmem:v0+s22+$0x10 ss:$0x1], $0xffff;
	[tilespmem:s17+$0x30] =	vst v6  }
0x2b: {  	s21 =	simm.s32 $0x80;
	s23 =	simm.s32 $0x400;
	[tilespmem:s17+$0xFFFFFFC0] =	vst v7;
	v6 =	vld.idx.msk [tilespmem:v0+s22+$0x20 ss:$0x1], $0xffff;
	s22 =	smov.u32 s17  }
.LBB1_4:
0x2c: {  	p0 =	sne.s32 s23, $0xE00;
	v7 =	vld.idx.msk [tilespmem:v0+s21+$0x30 ss:$0x1], $0xffff;
	[tilespmem:s22+$0xFFFFFFD0] =	vst v5  }
0x2d: {  	v8 =	vld.idx.msk [tilespmem:v0+s21+$0xFFFFFFC0 ss:$0x1], $0xffff;
	[tilespmem:s22+$0xFFFFFFE0] =	vst v4  }
0x2e: {  	v5 =	vld.idx.msk [tilespmem:v0+s21+$0xFFFFFFD0 ss:$0x1], $0xffff;
	[tilespmem:s22+$0xFFFFFFF0] =	vst v3  }
.Ltmp3:
0x2f: {  	v4 =	vld.idx.msk [tilespmem:v0+s21+$0xFFFFFFE0 ss:$0x1], $0xffff;
	[tilespmem:s22+$0x0] =	vst v1;
	(pc) =	sbr.rel @p0 .LBB1_4-.Ltmp3, $4  }
0x30: {  	v3 =	vld.idx.msk [tilespmem:v0+s21+$0xFFFFFFF0 ss:$0x1], $0xffff;
	[tilespmem:s22+$0x10] =	vst v2  }
0x31: {  	v1 =	vld.idx.msk [tilespmem:v0+s21+$0x0 ss:$0x1], $0xffff;
	[tilespmem:s22+$0x20] =	vst v6;
	s22 =	sadd.s32 $0x800, s22  }
0x32: {  	v2 =	vld.idx.msk [tilespmem:v0+s21+$0x10 ss:$0x1], $0xffff;
	[tilespmem:s22+$0x30] =	vst v7  }
0x33: {  	[tilespmem:s22+$0xFFFFFFC0] =	vst v8;
	v6 =	vld.idx.msk [tilespmem:v0+s21+$0x20 ss:$0x1], $0xffff;
	s21 =	sshra.s32 s23, $0x2;
	s23 =	sadd.s32 $0x200, s23  }
0x34: {  	_ =	sdelay $0x2  }
0x35: {  	[tilespmem:s22+$0xFFFFFFD0] =	vst v5  }
0x36: {  	v56 =	vld.idx.msk [tilespmem:v0+s21+$0x30 ss:$0x1], $0xffff;
	[tilespmem:s22+$0xFFFFFFE0] =	vst v4  }
0x37: {  	v57 =	vld.idx.msk [tilespmem:v0+s21+$0xFFFFFFC0 ss:$0x1], $0xffff;
	[tilespmem:s22+$0xFFFFFFF0] =	vst v3  }
0x38: {  	v58 =	vld.idx.msk [tilespmem:v0+s21+$0xFFFFFFD0 ss:$0x1], $0xffff;
	[tilespmem:s22+$0x0] =	vst v1  }
0x39: {  	v59 =	vld.idx.msk [tilespmem:v0+s21+$0xFFFFFFE0 ss:$0x1], $0xffff;
	[tilespmem:s22+$0x10] =	vst v2  }
0x3a: {  	v60 =	vld.idx.msk [tilespmem:v0+s21+$0xFFFFFFF0 ss:$0x1], $0xffff;
	s31 =	sadd.s32 $0x800, s22;
	[tilespmem:s22+$0x20] =	vst v6  }
0x3b: {  	v61 =	vld.idx.msk [tilespmem:v0+s21+$0x0 ss:$0x1], $0xffff;
	[tilespmem:s31+$0x30] =	vst v56  }
0x3c: {  	v62 =	vld.idx.msk [tilespmem:v0+s21+$0x10 ss:$0x1], $0xffff;
	s20 =	sadd.s32 $0x1, s20;
	[tilespmem:s31+$0xFFFFFFC0] =	vst v57  }
0x3d: {  	v63 =	vld.idx.msk [tilespmem:v0+s21+$0x20 ss:$0x1], $0xffff;
	p0 =	sne.s32 s20, $0x10;
	[tilespmem:s31+$0xFFFFFFD0] =	vst v58  }
.Ltmp4:
0x3e: {  	[tilespmem:s31+$0xFFFFFFE0] =	vst v59;
	(pc) =	sbr.rel @p0 .LBB1_3-.Ltmp4, $4  }
0x3f: {  	[tilespmem:s31+$0xFFFFFFF0] =	vst v60  }
0x40: {  	[tilespmem:s31+$0x0] =	vst v61  }
0x41: {  	[tilespmem:s31+$0x10] =	vst v62  }
0x42: {  	s17 =	sadd.s32 $0x80, s17;
	s19 =	sadd.s32 $0x400, s19;
	[tilespmem:s31+$0x20] =	vst v63  }
.Ltmp5:
0x43: {  	(pc) =	sbr.rel .LBB1_7-.Ltmp5, $4  }
0x44: {  	s16 =	sshll.u32 s16, $0x12;
	s15 =	sshll.u32 s15, $0x4  }
0x45: {  	s15 =	sand.u32 $0x7FF0, s15;
	s16 =	sadd.s32 s4, s16  }
0x46: {  	s15 =	sadd.s32 s15, s16  }
0x47: {  	[hbm4b:s15+s9] =	stream.strided.scatter [tilespmem:s18], [sflag:$0x2], $0x4000, s10, s9, $0x38;
	[tilespmem:$0x10000] =	vst v63  }
.LBB1_8:
0x48: {  	_ =	sfence.sel $0x180000  }
0x49: {  	s2 =	simm.s32 $0x1;
	[bflag:$0x0] =	sbarrier.arrive $0xFFFF  }
0x4a: {  	s31 =	simm.s32 $0x2;
	[sflag:s2] =	ssyncpa.u1 $0x1  }
0x4b: {  	[sflag:s31] =	ssyncpa.u1 $0x1  }
0x4c: {  	p0 =	sne.s32 s0, $0x0;
	_ =	strace $0x90000047  }
0x4d: {  	s0 =	sadd.s32 @!p0 $0x100000, s1;
	[bflag:$0x2] =	sbarrier.arrive $0xFFFF  }
0x4e: {  	[sflag:s0] =	ssyncadd.tile.s32 @!p0 $0x1;
	_ =	shalt  }
.Lfunc_end1:
_tile_overlayer_lowered:
.L_overlay_start_2:
0x4f: {  	(tag) =	ssettag $0x2  }
0x50: {  	s0 =	rddreg [dreg:$0x0];
	s2 =	stileid.u32  }
0x51: {  	s1 =	rddreg [dreg:$0x1];
	p0 =	sne.s32 s2, $0x0  }
0x52: {  	s3 =	rddreg [dreg:$0x2];
	[bflag:$0x3] =	sbarrier.arrive $0xFFFF;
	s2 =	simm.s32 @!p0 $0x1C01  }
0x53: {  	[timem:s3], [sflag:s2] =	dma.local @!p0 [hbm:s0], s1  }
0x54: {  	s0 =	simm.s32 @!p0 $0x1  }
0x55: {  	_ =	swait.ge @!p0 [sflag:s0], s1  }
0x56: {  	s1 =	ssub.s32 @!p0 $0x0, s1;
	[sflag:s0] =	ssyncset.done @!p0 $0x0  }
0x57: {  	[sflag:s0] =	ssyncadd.s32 @!p0 s1  }
0x58: {  	[bflag:$0x3] =	sbarrier.arrive $0xFFFF  }
0x59: {  	_ =	shalt  }

// kernel: sparse-core-data-format-call.cloned.1.call-start
scs
called_computation_lowered:
.L_overlay_start_0:
0x0: {  	s2 =	sld [smem:$0x3FD9]  }
0x1: {  	s3 =	sld [smem:$0x3FFE];
	_ =	sdelay $0x1  }
0x2: {  	s1 =	srdreg.scid  }
0x3: {  	s0 =	sand.u32 $0x1, s1  }
0x4: {  	s18 =	sshll.u32 s0, $0xA;
	s2 =	sadd.s32 s3, s2  }
0x5: {  	s2 =	sadd.s32 s2, s18  }
0x6: {  	[smem:$0x3FC5] =	sst s2  }
0x7: {  	_ = 	snop  }
0x8: {  	s2 =	sld [smem:$0x3FD0];
	(tm) =	ssettm $0x1  }
0x9: {  	s19 =	sld [smem:$0x3FFB];
	_ =	sdelay $0x3  }
0xa: {  	_ =	strace s19  }
0xb: {  	s3 =	sld [smem:$0x3FFC];
	_ =	sdelay $0x3  }
0xc: {  	_ =	strace s3  }
0xd: {  	s3 =	sld [smem:$0x3FFD];
	_ =	sdelay $0x3  }
0xe: {  	_ =	strace s3  }
0xf: {  	_ =	strace $0x8FFFFFFF  }
0x10: {  	s20 =	sld [smem:$0x3FDB];
	_ =	sdelay $0x1  }
0x11: {  	s4 =	simm.s32 $_scs_section_size  }
0x12: {  	s5 =	simm.s32 $_size__tile_overlayer_lowered;
	s6 =	simm.s32 $_tile_overlayer_lowered  }
0x13: {  	s23 =	simm.s32 $0x1BFF;
	s22 =	sshll.u32 s6, $0x1;
	s3 =	sadd.s32 s4, s20  }
0x14: {  	s7 =	simm.s32 $0x0;
	s21 =	sshll.u32 s5, $0x1;
	s5 =	sadd.s32 s22, s3  }
0x15: {  	[timem:s7], [sflag:s23] =	dma.local [hbm:s5], s21  }
0x16: {  	_ =	swait.ge [sflag:s23], s21  }
0x17: {  	s4 =	ssub.s32 $0x0, s21;
	[sflag:s23] =	ssyncset.done $0x0  }
0x18: {  	[sflag:s23] =	ssyncadd.s32 s4;
	_ =	sdelay $0x1  }
0x19: {  	s24 =	simm.s32 $0x1B8B  }
0x1a: {  	_ =	swait.ge [sflag:s24], $0x1  }
0x1b: {  	[sflag:s24] =	ssyncset.done $0x0  }
0x1c: {  	s26 =	simm.s32 $0x1B8E;
	s25 =	sld [smem:$0x3FFE];
	[sflag:s24] =	ssyncadd.s32 $0xFFFFFFFF  }
0x1d: {  	s27 =	simm.s32 $execute0_lowered;
	[smem:$0x3FD2] =	sst s26  }
0x1e: {  	s5 =	sshll.u32 s27, $0x1;
	_ =	strace $0x8000004C;
	[dreg:$0x1] =	wrdreg $0xFFFFFFFF  }
0x1f: {  	s28 =	simm.s32 $_size_execute0_lowered;
	s3 =	sadd.s32 s3, s5;
	[dreg:$0x0] =	wrdreg $0x0  }
0x20: {  	s5 =	sshll.u32 s28, $0x1;
	[dreg:$0x2] =	wrdreg s3  }
0x21: {  	[dreg:$0x3] =	wrdreg s5  }
0x22: {  	[dreg:$0x4] =	wrdreg $0xC0  }
0x23: {  	_ =	task [dreg:s7], $0x5FFFF  }
0x24: {  	[dreg:$0x1] =	wrdreg $0xFFFFFFFF  }
0x25: {  	[dreg:$0x0] =	wrdreg $0x60  }
0x26: {  	[dreg:$0x2] =	wrdreg s25  }
0x27: {  	[dreg:$0x3] =	wrdreg s2  }
0x28: {  	[dreg:$0x4] =	wrdreg $0x9  }
0x29: {  	_ =	task.clear_ibuf [dreg:s7], $0x5FFFF;
	_ =	strace $0x9000004C  }
0x2a: {  	s29 =	simm.s32 $0x9;
	_ =	strace $0x8000004E  }
0x2b: {  	_ =	swait.ge [sflag:s29], $0x1  }
0x2c: {  	[sflag:s29] =	ssyncadd.s32 $0xFFFFFFFF  }
0x2d: {  	_ =	strace $0x9000004E  }
0x2e: {  	_ =	sfence  }
0x2f: {  	s30 =	sld [smem:$0x0];
	_ =	sdelay $0x2  }
0x30: {  	s31 =	sshll.u32 s1, $0xD;
	s1 =	sshrl.u32 s1, $0x2  }
0x31: {  	s3 =	sand.u32 $0x4000, s31;
	s1 =	sadd.s32 s1, s30  }
0x32: {  	s0 =	sor.u32 s3, s0;
	s1 =	sshll.u32 s1, $0x11  }
0x33: {  	s0 =	sor.u32 s1, s0  }
0x34: {  	s0 =	sadd.s32 $0x8F2B, s0  }
0x35: {  	[sflag:s0] =	ssyncadd.remote.s32 $0x1  }
0x36: {  	_ =	sfence.sel $0xFFFF  }
0x37: {  	[dreg:$0x0] =	wrdreg $0xFFFFFFFF;
	(pc) =	sbr.abs _section_cstart, $3  }
0x38: {  	[dreg:$0x1] =	wrdreg $0xFFFFFFFF  }
0x39: {  	_ =	task.clear_ibuf [dreg:s7], $0x2FFFF;
	_ =	strace $0x9FFFFFFF  }
0x3a: {  	(tm) =	ssettm $0x7FFFFFFF  }
0x3b: {  	_ =	shalt  }
tec
execute0_lowered:
.L_overlay_start_1:
0x0: {  	(tag) =	ssettag $0x1  }
0x1: {  	s0 =	stileid.u32  }
0x2: {  	s1 =	srdreg.scid;
	s6 =	rddreg [dreg:$0x0]  }
0x3: {  	s3 =	rddreg [dreg:$0x1];
	s2 =	sshll.u32 s0, $0x4;
	s1 =	sshll.u32 s1, $0x8  }
0x4: {  	s5 =	simm.s32 $0x1;
	s8 =	simm.s32 $0x2;
	s1 =	sor.u32 s2, s1  }
0x5: {  	s16 =	simm.s32 $0x0;
	s9 =	simm.s32 $0x80;
	s2 =	sand.u32 $0x180, s1  }
0x6: {  	s10 =	simm.s32 $0x400;
	s11 =	simm.s32 $0x0;
	s4 =	ssub.s32 $0x800, s2  }
0x7: {  	s17 =	simm.s32 $0x0;
	s18 =	simm.s32 $0x0;
	s31 =	sand.u32 $0x180, s4  }
0x8: {  	s14 =	simm.s32 $0x0;
	s15 =	simm.s32 $0x0;
	p0 =	sne.s32 s31, $0x0  }
.Ltmp0:
0x9: {  	s7 =	sshrl.u32 s4, $0x9;
	s5 =	simm.s32 @!p0 $0x0;
	(pc) =	sbr.rel .LBB1_1-.Ltmp0, $4  }
0xa: {  	s6 =	sadd.s32 $0x1200, s6;
	s1 =	rddreg [dreg:$0x2];
	s5 =	sadd.s32 s5, s7  }
0xb: {  	_ =	strace $0x8000004D;
	s4 =	simm.s32 $0x1;
	s5 =	smul.u32 $0x9, s5  }
0xc: {  	s12 =	smov.u32 s2;
	[sflag:s4] =	ssyncpa.u1 $0x0;
	s7 =	sand.u32 $0x7, s0  }
0xd: {  	[sflag:s8] =	ssyncpa.u1 $0x0;
	s13 =	smov.u32 s7;
	s8 =	sadd.s32 $0x1, s5  }
.LBB1_4:
0xe: {  	_ =	sdelay $0x3  }
0xf: {  	[tilespmem:v0+s20+$0xFFFFFFA0 ss:$0x1] =	vst.idx.msk $0xffff, v6  }
0x10: {  	v56 =	vld.idx.msk [tilespmem:v1+s21+$0x30 ss:$0x1], $0xffff;
	[tilespmem:v0+s20+$0xFFFFFFB0 ss:$0x1] =	vst.idx.msk $0xffff, v4  }
0x11: {  	v57 =	vld.idx.msk [tilespmem:v1+s21+$0xFFFFFFC0 ss:$0x1], $0xffff;
	[tilespmem:v0+s20+$0xFFFFFFC0 ss:$0x1] =	vst.idx.msk $0xffff, v2  }
0x12: {  	v58 =	vld.idx.msk [tilespmem:v1+s21+$0xFFFFFFD0 ss:$0x1], $0xffff;
	[tilespmem:v0+s20+$0xFFFFFFD0 ss:$0x1] =	vst.idx.msk $0xffff, v3  }
0x13: {  	v59 =	vld.idx.msk [tilespmem:v1+s21+$0xFFFFFFE0 ss:$0x1], $0xffff;
	[tilespmem:v0+s20+$0xFFFFFFE0 ss:$0x1] =	vst.idx.msk $0xffff, v5  }
0x14: {  	v60 =	vld.idx.msk [tilespmem:v1+s21+$0xFFFFFFF0 ss:$0x1], $0xffff;
	[tilespmem:v0+s20+$0xFFFFFFF0 ss:$0x1] =	vst.idx.msk $0xffff, v7  }
0x15: {  	v61 =	vld.idx.msk [tilespmem:v1+s21+$0x0 ss:$0x1], $0xffff;
	[tilespmem:v0+s21+$0x0 ss:$0x1] =	vst.idx.msk $0xffff, v56  }
0x16: {  	v62 =	vld.idx.msk [tilespmem:v1+s21+$0x10 ss:$0x1], $0xffff;
	[tilespmem:v0+s21+$0xFFFFFF90 ss:$0x1] =	vst.idx.msk $0xffff, v57  }
0x17: {  	v63 =	vld.idx.msk [tilespmem:v1+s21+$0x20 ss:$0x1], $0xffff;
	[tilespmem:v0+s21+$0xFFFFFFA0 ss:$0x1] =	vst.idx.msk $0xffff, v58  }
0x18: {  	[tilespmem:v0+s21+$0xFFFFFFB0 ss:$0x1] =	vst.idx.msk $0xffff, v59  }
0x19: {  	s18 =	sshll.u32 s18, $0x12;
	[tilespmem:v0+s21+$0xFFFFFFC0 ss:$0x1] =	vst.idx.msk $0xffff, v60  }
0x1a: {  	s16 =	sshll.u32 s16, $0x7;
	s17 =	sshll.u32 s17, $0x4;
	s18 =	sadd.s32 s3, s18;
	[tilespmem:v0+s21+$0xFFFFFFD0 ss:$0x1] =	vst.idx.msk $0xffff, v61  }
0x1b: {  	s17 =	sand.u32 $0x70, s17;
	s16 =	sadd.s32 s16, s18;
	[tilespmem:v0+s21+$0xFFFFFFE0 ss:$0x1] =	vst.idx.msk $0xffff, v62  }
0x1c: {  	s16 =	sadd.s32 s17, s16;
	[tilespmem:v0+s21+$0xFFFFFFF0 ss:$0x1] =	vst.idx.msk $0xffff, v63  }
0x1d: {  	[hbm4b:s16+s9] =	stream.strided.scatter [tilespmem:s19], [sflag:$0x2], $0x4000, s10, s9, $0x38;
	[tilespmem:$0x10000] =	vst v63  }
.LBB1_5:
0x1e: {  	s19 =	sadd.s32 $0x200, s12  }
0x1f: {  	s16 =	sadd.s32 $0x8, s13;
	s20 =	smov.u32 s13;
	p1 =	sgt.s32 s19, $0x7FF  }
0x20: {  	s20 =	smov.u32 @p1 s16  }
0x21: {  	s16 =	simm.s32 $0x1;
	p2 =	sgt.s32 s20, $0x7  }
0x22: {  	s16 =	simm.s32 @!p2 $0x0  }
0x23: {  	s22 =	sadd.s32 s16, s14  }
0x24: {  	s19 =	smov.u32 @p1 s2;
	p1 =	sgt.s32 s22, $0x8  }
0x25: {  	p0 =	slt.u32 s15, $0x2;
	s22 =	simm.s32 @p1 $0x0;
	p1 =	sne.s32 s15, s8  }
.Ltmp1:
0x26: {  	s21 =	simm.s32 @!p0 $0x2;
	(pc) =	sbr.rel @!p1 .LBB1_6-.Ltmp1, $4  }
0x27: {  	s17 =	smov.u32 s13;
	s18 =	smov.u32 s14;
	_ =	swait.ge @!p0 [sflag:s21], $0x4000  }
0x28: {  	s11 =	sadd.s32 $0x4000, s11;
	[sflag:s21] =	ssyncset.done @!p0 $0x0;
	s20 =	smov.u32 @p2 s7  }
0x29: {  	[sflag:s21] =	ssyncadd.s32 @!p0 $0xFFFFC000;
	s16 =	smov.u32 s12;
	s12 =	smov.u32 s19  }
0x2a: {  	s13 =	smov.u32 s20;
	s15 =	sadd.s32 $0x1, s15;
	s14 =	smov.u32 s22  }
.LBB1_1:
0x2b: {  	p0 =	sge.u32 s15, s5  }
0x2c: {  	s31 =	sadd.s32 $0xFFFFFFFF, s15;
	s19 =	sxor.u32 @!p0 $0xFFFFFFFF, s15;
	s20 =	sshll.u32 @!p0 s14, $0x12  }
0x2d: {  	s21 =	sshll.u32 @!p0 s13, $0xF;
	s22 =	sshll.u32 @!p0 s12, $0x4;
	s20 =	sadd.s32 @!p0 s6, s20  }
0x2e: {  	s19 =	sshll.u32 @!p0 s19, $0xE;
	s22 =	sand.u32 @!p0 $0x7FF0, s22;
	s20 =	sadd.s32 @!p0 s21, s20  }
0x2f: {  	s19 =	sand.u32 @!p0 $0x4000, s19;
	s21 =	simm.s32 @!p0 $0x0;
	s20 =	sadd.s32 @!p0 s22, s20  }
0x30: {  	[tilespmem:s19], [sflag:$0x1] =	stream.linear.gather @!p0 [hbm4b:s20+s21], $0x4000, $0x38;
	[tilespmem:$0x10000] =	vst v63  }
0x31: {  	p0 =	sge.u32 s31, s5  }
.Ltmp2:
0x32: {  	_ = 	snop;
	(pc) =	sbr.rel @p0 .LBB1_5-.Ltmp2, $1  }
0x33: {  	_ =	sdelay $0x3  }
0x34: {  	s19 =	sand.u32 $0x4000, s11  }
0x35: {  	s20 =	sor.u32 $0x40, s19  }
0x36: {  	v1 =	vmov s20;
	_ =	sdelay $0x1  }
0x37: {  	_ =	swait.ge [sflag:s4], $0x4000  }
0x38: {  	[sflag:s4] =	ssyncset.done $0x0  }
0x39: {  	[sflag:s4] =	ssyncadd.s32 $0xFFFFC000;
	s20 =	simm.s32 $0x0  }
0x3a: {  	s19 =	sor.u32 $0x8070, s19;
	v7 =	vld.idx.msk [tilespmem:v1+s20+$0x30 ss:$0x1], $0xffff  }
0x3b: {  	v0 =	vmov s19;
	v8 =	vld.idx.msk [tilespmem:v1+s20+$0xFFFFFFC0 ss:$0x1], $0xffff  }
0x3c: {  	v6 =	vld.idx.msk [tilespmem:v1+s20+$0xFFFFFFD0 ss:$0x1], $0xffff  }
0x3d: {  	v4 =	vld.idx.msk [tilespmem:v1+s20+$0xFFFFFFE0 ss:$0x1], $0xffff  }
0x3e: {  	v2 =	vld.idx.msk [tilespmem:v1+s20+$0xFFFFFFF0 ss:$0x1], $0xffff  }
0x3f: {  	s31 =	sshll.u32 s15, $0xE;
	v3 =	vld.idx.msk [tilespmem:v1+s20+$0x0 ss:$0x1], $0xffff  }
0x40: {  	s19 =	sand.u32 $0x4000, s31;
	v5 =	vld.idx.msk [tilespmem:v1+s20+$0x10 ss:$0x1], $0xffff;
	[tilespmem:v0+s20+$0x0 ss:$0x1] =	vst.idx.msk $0xffff, v7  }
0x41: {  	s21 =	simm.s32 $0x80;
	s22 =	simm.s32 $0x400;
	s19 =	sor.u32 $0x8000, s19;
	[tilespmem:v0+s20+$0xFFFFFF90 ss:$0x1] =	vst.idx.msk $0xffff, v8;
	v7 =	vld.idx.msk [tilespmem:v1+s20+$0x20 ss:$0x1], $0xffff  }
.LBB1_3:
0x42: {  	p0 =	sne.s32 s22, $0xFE00;
	v8 =	vld.idx.msk [tilespmem:v1+s21+$0x30 ss:$0x1], $0xffff;
	[tilespmem:v0+s20+$0xFFFFFFA0 ss:$0x1] =	vst.idx.msk $0xffff, v6  }
0x43: {  	v9 =	vld.idx.msk [tilespmem:v1+s21+$0xFFFFFFC0 ss:$0x1], $0xffff;
	[tilespmem:v0+s20+$0xFFFFFFB0 ss:$0x1] =	vst.idx.msk $0xffff, v4  }
0x44: {  	v6 =	vld.idx.msk [tilespmem:v1+s21+$0xFFFFFFD0 ss:$0x1], $0xffff;
	[tilespmem:v0+s20+$0xFFFFFFC0 ss:$0x1] =	vst.idx.msk $0xffff, v2  }
.Ltmp3:
0x45: {  	v4 =	vld.idx.msk [tilespmem:v1+s21+$0xFFFFFFE0 ss:$0x1], $0xffff;
	[tilespmem:v0+s20+$0xFFFFFFD0 ss:$0x1] =	vst.idx.msk $0xffff, v3;
	(pc) =	sbr.rel @p0 .LBB1_3-.Ltmp3, $4  }
0x46: {  	v2 =	vld.idx.msk [tilespmem:v1+s21+$0xFFFFFFF0 ss:$0x1], $0xffff;
	[tilespmem:v0+s20+$0xFFFFFFE0 ss:$0x1] =	vst.idx.msk $0xffff, v5  }
0x47: {  	v3 =	vld.idx.msk [tilespmem:v1+s21+$0x0 ss:$0x1], $0xffff;
	[tilespmem:v0+s20+$0xFFFFFFF0 ss:$0x1] =	vst.idx.msk $0xffff, v7;
	s20 =	smov.u32 s21  }
0x48: {  	v5 =	vld.idx.msk [tilespmem:v1+s20+$0x10 ss:$0x1], $0xffff;
	[tilespmem:v0+s20+$0x0 ss:$0x1] =	vst.idx.msk $0xffff, v8  }
0x49: {  	s21 =	sshra.s32 s22, $0x2;
	s22 =	sadd.s32 $0x200, s22;
	[tilespmem:v0+s20+$0xFFFFFF90 ss:$0x1] =	vst.idx.msk $0xffff, v9;
	v7 =	vld.idx.msk [tilespmem:v1+s20+$0x20 ss:$0x1], $0xffff  }
.Ltmp4:
0x4a: {  	_ = 	snop;
	(pc) =	sbr.rel .LBB1_4-.Ltmp4, $1  }
0x4b: {  	_ =	sdelay $0x3  }
.LBB1_6:
0x4c: {  	_ =	sfence.sel $0x180000  }
0x4d: {  	s2 =	simm.s32 $0x1;
	[bflag:$0x0] =	sbarrier.arrive $0xFFFF  }
0x4e: {  	s31 =	simm.s32 $0x2;
	[sflag:s2] =	ssyncpa.u1 $0x1  }
0x4f: {  	[sflag:s31] =	ssyncpa.u1 $0x1  }
0x50: {  	p0 =	sne.s32 s0, $0x0;
	_ =	strace $0x9000004D  }
0x51: {  	s0 =	sadd.s32 @!p0 $0x100000, s1;
	[bflag:$0x2] =	sbarrier.arrive $0xFFFF  }
0x52: {  	[sflag:s0] =	ssyncadd.tile.s32 @!p0 $0x1;
	_ =	shalt  }
.Lfunc_end1:
_tile_overlayer_lowered:
.L_overlay_start_2:
0x53: {  	(tag) =	ssettag $0x2  }
0x54: {  	s0 =	rddreg [dreg:$0x0];
	s2 =	stileid.u32  }
0x55: {  	s1 =	rddreg [dreg:$0x1];
	p0 =	sne.s32 s2, $0x0  }
0x56: {  	s3 =	rddreg [dreg:$0x2];
	[bflag:$0x3] =	sbarrier.arrive $0xFFFF;
	s2 =	simm.s32 @!p0 $0x1C01  }
0x57: {  	[timem:s3], [sflag:s2] =	dma.local @!p0 [hbm:s0], s1  }
0x58: {  	s0 =	simm.s32 @!p0 $0x1  }
0x59: {  	_ =	swait.ge @!p0 [sflag:s0], s1  }
0x5a: {  	s1 =	ssub.s32 @!p0 $0x0, s1;
	[sflag:s0] =	ssyncset.done @!p0 $0x0  }
0x5b: {  	[sflag:s0] =	ssyncadd.s32 @!p0 s1  }
0x5c: {  	[bflag:$0x3] =	sbarrier.arrive $0xFFFF  }
0x5d: {  	_ =	shalt  }

</sc_bundles>
